<compile_context>
chip_gen: v7x
topology: tpu7x:2x2x1
jax: 0.10.2.dev20260603
libtpu: 0.0.44.dev20260713+nightly
codegen_flags: <defaults>
</compile_context>

<pallas_src>
import functools

import jax
import jax.numpy as jnp
import numpy as np
from jax import lax
from jax.experimental import pallas as pl
from jax.experimental.pallas import tpu as pltpu
from jax.experimental.pallas import tpu_sc as plsc

ATOM_FEA_LEN = 128
NUM_RADIAL = 16
OUT_LEN = 128
N_NODES = 10000
N_EDGES = 320000

_NC = 2
_NS = 16
_NW = _NC * _NS
_E_PER_W = N_EDGES // _NW
_CHUNK = 80
_N_CHUNKS = _E_PER_W // _CHUNK
_N_PAIRS = (_N_CHUNKS - 1) // 2
_SEG = 16

_RBF_BLK = 3200


def _matmul_body_f32(x_ref, w_ref, o_ref):
    o_ref[...] = jnp.dot(
        x_ref[...], w_ref[...],
        preferred_element_type=jnp.float32,
        precision=lax.Precision.HIGHEST,
    )


def _matmul_body_bf16(x_ref, w_ref, o_ref):
    o_ref[...] = jnp.dot(
        x_ref[...].astype(jnp.bfloat16), w_ref[...],
        preferred_element_type=jnp.float32,
    )


def _node_table(atom_fea, w01):
    return pl.pallas_call(
        _matmul_body_f32,
        grid=(2,),
        in_specs=[
            pl.BlockSpec((N_NODES, ATOM_FEA_LEN), lambda t: (0, 0)),
            pl.BlockSpec((ATOM_FEA_LEN, OUT_LEN), lambda t: (t, 0)),
        ],
        out_specs=pl.BlockSpec((N_NODES, OUT_LEN), lambda t: (t, 0)),
        out_shape=jax.ShapeDtypeStruct((2 * N_NODES, OUT_LEN), jnp.float32),
    )(atom_fea, w01)


def _rbf_proj(rbf, w2_bf16):
    return pl.pallas_call(
        _matmul_body_bf16,
        grid=(N_EDGES // _RBF_BLK,),
        in_specs=[
            pl.BlockSpec((_RBF_BLK, NUM_RADIAL), lambda t: (t, 0)),
            pl.BlockSpec((NUM_RADIAL, OUT_LEN), lambda t: (0, 0)),
        ],
        out_specs=pl.BlockSpec((_RBF_BLK, OUT_LEN), lambda t: (t, 0)),
        out_shape=jax.ShapeDtypeStruct((N_EDGES, OUT_LEN), jnp.float32),
    )(rbf, w2_bf16)


def _sc_body(t_hbm, i0_hbm, i1_hbm, r_hbm, out_hbm,
             i0_v, i1_v, g0_v, g1_v, r_v, o_v, sem0, sem1):
    sems = (sem0, sem1)
    wid = lax.axis_index("s") * _NC + lax.axis_index("c")
    base = wid * _E_PER_W

    pltpu.sync_copy(i0_hbm.at[pl.ds(base, _E_PER_W)], i0_v)
    pltpu.sync_copy(i1_hbm.at[pl.ds(base, _E_PER_W)], i1_v)

    def issue(b, ci):
        off = ci * _CHUNK
        pltpu.async_copy(t_hbm.at[i0_v.at[pl.ds(off, _CHUNK)]], g0_v.at[b],
                         sems[b])
        pltpu.async_copy(t_hbm.at[i1_v.at[pl.ds(off, _CHUNK)]], g1_v.at[b],
                         sems[b])
        pltpu.async_copy(r_hbm.at[pl.ds(base + off, _CHUNK)], r_v.at[b],
                         sems[b])

    def drain(b):
        dummy = t_hbm.at[pl.ds(0, _CHUNK)]
        dummyr = r_hbm.at[pl.ds(0, _CHUNK)]
        pltpu.make_async_copy(dummy, g0_v.at[b], sems[b]).wait()
        pltpu.make_async_copy(dummy, g1_v.at[b], sems[b]).wait()
        pltpu.make_async_copy(dummyr, r_v.at[b], sems[b]).wait()

    def combine_and_store(b, ci):
        def row_body(r, carry):
            for c in range(OUT_LEN // _SEG):
                sl = pl.ds(_SEG * c, _SEG)
                o_v[b, r, sl] = (g0_v[b, r, 0, sl] + g1_v[b, r, 0, sl]
                                 + r_v[b, r, sl])
            return carry

        lax.fori_loop(0, _CHUNK, row_body, 0)
        pltpu.sync_copy(o_v.at[b],
                        out_hbm.at[pl.ds(base + ci * _CHUNK, _CHUNK)])

    issue(0, 0)

    def pair_body(p, carry):
        issue(1, 2 * p + 1)
        drain(0)
        combine_and_store(0, 2 * p)
        issue(0, 2 * p + 2)
        drain(1)
        combine_and_store(1, 2 * p + 1)
        return carry

    lax.fori_loop(0, _N_PAIRS, pair_body, 0)
    drain(0)
    combine_and_store(0, _N_CHUNKS - 1)


@functools.partial(
    pl.kernel,
    out_type=jax.ShapeDtypeStruct((N_EDGES, OUT_LEN), jnp.float32),
    mesh=plsc.VectorSubcoreMesh(core_axis_name="c", subcore_axis_name="s"),
    scratch_types=[
        pltpu.VMEM((_E_PER_W,), jnp.int32),
        pltpu.VMEM((_E_PER_W,), jnp.int32),
        pltpu.VMEM((2, _CHUNK, 1, OUT_LEN), jnp.float32),
        pltpu.VMEM((2, _CHUNK, 1, OUT_LEN), jnp.float32),
        pltpu.VMEM((2, _CHUNK, OUT_LEN), jnp.float32),
        pltpu.VMEM((2, _CHUNK, OUT_LEN), jnp.float32),
        pltpu.SemaphoreType.DMA,
        pltpu.SemaphoreType.DMA,
    ],
)
def _sc_combine(t_hbm, i0_hbm, i1_hbm, r_hbm, out_hbm, *scratch):
    _sc_body(t_hbm, i0_hbm, i1_hbm, r_hbm, out_hbm, *scratch)


def kernel(atom_fea, rbf, nbr_fea_idx, W):
    w01 = W[: 2 * ATOM_FEA_LEN]
    w2_bf16 = W[2 * ATOM_FEA_LEN :].astype(jnp.bfloat16)
    table = _node_table(atom_fea, w01).reshape(2 * N_NODES, 1, OUT_LEN)
    r = _rbf_proj(rbf, w2_bf16)
    i0 = nbr_fea_idx[:, 0]
    i1 = nbr_fea_idx[:, 1] + N_NODES
    return _sc_combine(table, i0, i1, r)

# --- scband reference (transcript-rebuilt; emitter-appended) ---
"""Pipeline reference for scband-edge-embedding-layer-86277303042265 (READ-ONLY COPY).

The authoritative reference and input builder live on the scoring server;
editing this copy changes nothing except your own understanding.
"""

import jax, jax.numpy as jnp
import numpy as np

ATOM_FEA_LEN = 128
NBR_FEA_LEN = 128
NUM_RADIAL = 16
N_NODES = 10000
N_EDGES = 320000


def setup_inputs(seed: int = 0) -> dict:
    key = jax.random.key(seed)
    k1, k2, k3, k4 = jax.random.split(key, 4)
    atom_fea = jax.random.normal(k1, (N_NODES, ATOM_FEA_LEN), dtype=jnp.float32)
    rbf = jax.random.normal(k2, (N_EDGES, NUM_RADIAL), dtype=jnp.float32)
    nbr_fea_idx = jax.random.randint(k3, (N_EDGES, 2), 0, N_NODES, dtype=jnp.int32)
    edge_input = 2 * ATOM_FEA_LEN + NUM_RADIAL
    # Dense(edge_input -> nbr_fea_len, no bias, no activation): weight (in, out)
    W = jax.random.normal(k4, (edge_input, NBR_FEA_LEN), dtype=jnp.float32) * (1.0 / np.sqrt(edge_input))
    return {"atom_fea": atom_fea, "rbf": rbf, "nbr_fea_idx": nbr_fea_idx, "W": W}


def reference(atom_fea, rbf, nbr_fea_idx, W):
    # gather endpoint atom features for every edge: (E, 2, atom_fea_len)
    gathered = jnp.take(atom_fea, nbr_fea_idx, axis=0)
    gathered = gathered.reshape(-1, 2 * ATOM_FEA_LEN)
    nbr_fea = jnp.concatenate([gathered, rbf], axis=-1).astype(gathered.dtype)
    edge = nbr_fea @ W  # Dense with no bias, no activation
    return edge

if __name__ == "__main__":
    import jax
    _d = setup_inputs()
    print(jax.jit(kernel)(*tuple(_d.values())))

</pallas_src>

<mosaic_0001>
#map = affine_map<(d0, d1) -> (0, 0, 0)>
#map1 = affine_map<(d0, d1) -> (0)>
#map2 = affine_map<(d0, d1) -> (0, 0)>
module attributes {stable_mosaic.version = 14 : i64} {
  func.func @_sc_combine(%arg0: i32, %arg1: i32, %arg2: memref<20000x1x128xf32, #tpu.memory_space<hbm>>, %arg3: memref<320000xi32, #tpu.memory_space<hbm>>, %arg4: memref<320000xi32, #tpu.memory_space<hbm>>, %arg5: memref<320000x128xf32, #tpu.memory_space<hbm>>, %arg6: memref<320000x128xf32, #tpu.memory_space<hbm>>, %arg7: memref<10000xi32, #tpu.memory_space<vmem>>, %arg8: memref<10000xi32, #tpu.memory_space<vmem>>, %arg9: memref<2x80x1x128xf32, #tpu.memory_space<vmem>>, %arg10: memref<2x80x1x128xf32, #tpu.memory_space<vmem>>, %arg11: memref<2x80x128xf32, #tpu.memory_space<vmem>>, %arg12: memref<2x80x128xf32, #tpu.memory_space<vmem>>, %arg13: memref<!tpu.dma_semaphore, #tpu.memory_space<semaphore_mem>>, %arg14: memref<!tpu.dma_semaphore, #tpu.memory_space<semaphore_mem>>) attributes {dimension_semantics = [#tpu.dimension_semantics<core_parallel>, #tpu.dimension_semantics<subcore_parallel>], iteration_bounds = array<i64: 2, 16>, scalar_prefetch = 0 : i64, scratch_operands = 8 : i64, tpu.core_type = #tpu.core_type<sc_vector_subcore>, window_params = [{transform_indices = #map}, {transform_indices = #map1}, {transform_indices = #map1}, {transform_indices = #map2}, {transform_indices = #map2}]} {
    %mul3A = arith.constant 2 : i32
    %mul3A_0 = arith.muli %arg1, %mul3A : i32
    %add3A = arith.addi %mul3A_0, %arg0 : i32
    %mul3A_1 = arith.constant 10000 : i32
    %mul3A_2 = arith.muli %add3A, %mul3A_1 : i32
    "tpu.region"() ({
      %run_scoped3A_106 = tpu.sem_alloc : memref<!tpu.dma_semaphore, #tpu.memory_space<semaphore_mem>>
      %dma_start3A_107 = tpu.memref_slice %arg3[%mul3A_2] : memref<320000xi32, #tpu.memory_space<hbm>> -> memref<10000xi32, #tpu.memory_space<hbm>>
      %dma_start3A_108 = tpu.memref_slice %arg3[%mul3A_2] : memref<320000xi32, #tpu.memory_space<hbm>> -> memref<10000xi32, #tpu.memory_space<hbm>>
      tpu.enqueue_dma source(%dma_start3A_108 : memref<10000xi32, #tpu.memory_space<hbm>>) target(%arg7 : memref<10000xi32, #tpu.memory_space<vmem>>) target_semaphore(%run_scoped3A_106 : memref<!tpu.dma_semaphore, #tpu.memory_space<semaphore_mem>>)
      %dma_wait3A_109 = tpu.memref_slice %arg3[%mul3A_2] : memref<320000xi32, #tpu.memory_space<hbm>> -> memref<10000xi32, #tpu.memory_space<hbm>>
      %dma_wait3A_110 = tpu.memref_slice %arg3[%mul3A_2] : memref<320000xi32, #tpu.memory_space<hbm>> -> memref<10000xi32, #tpu.memory_space<hbm>>
      tpu.wait_dma2 semaphore(%run_scoped3A_106 : memref<!tpu.dma_semaphore, #tpu.memory_space<semaphore_mem>>) src(%dma_wait3A_110 : memref<10000xi32, #tpu.memory_space<hbm>>) dst(%arg7 : memref<10000xi32, #tpu.memory_space<vmem>>)
      tpu.yield
    }) : () -> ()
    "tpu.region"() ({
      %run_scoped3A_106 = tpu.sem_alloc : memref<!tpu.dma_semaphore, #tpu.memory_space<semaphore_mem>>
      %dma_start3A_107 = tpu.memref_slice %arg4[%mul3A_2] : memref<320000xi32, #tpu.memory_space<hbm>> -> memref<10000xi32, #tpu.memory_space<hbm>>
      %dma_start3A_108 = tpu.memref_slice %arg4[%mul3A_2] : memref<320000xi32, #tpu.memory_space<hbm>> -> memref<10000xi32, #tpu.memory_space<hbm>>
      tpu.enqueue_dma source(%dma_start3A_108 : memref<10000xi32, #tpu.memory_space<hbm>>) target(%arg8 : memref<10000xi32, #tpu.memory_space<vmem>>) target_semaphore(%run_scoped3A_106 : memref<!tpu.dma_semaphore, #tpu.memory_space<semaphore_mem>>)
      %dma_wait3A_109 = tpu.memref_slice %arg4[%mul3A_2] : memref<320000xi32, #tpu.memory_space<hbm>> -> memref<10000xi32, #tpu.memory_space<hbm>>
      %dma_wait3A_110 = tpu.memref_slice %arg4[%mul3A_2] : memref<320000xi32, #tpu.memory_space<hbm>> -> memref<10000xi32, #tpu.memory_space<hbm>>
      tpu.wait_dma2 semaphore(%run_scoped3A_106 : memref<!tpu.dma_semaphore, #tpu.memory_space<semaphore_mem>>) src(%dma_wait3A_110 : memref<10000xi32, #tpu.memory_space<hbm>>) dst(%arg8 : memref<10000xi32, #tpu.memory_space<vmem>>)
      tpu.yield
    }) : () -> ()
    %dma_start3A = arith.constant 0 : i32
    %dma_start3A_3 = arith.constant 0 : i32
    %dma_start3A_4 = arith.constant 0 : i32
    %dma_start3A_5 = arith.constant 0 : i32
    %dma_start3A_6 = tpu.memref_slice %arg9[%dma_start3A, %dma_start3A_3, %dma_start3A_4, %dma_start3A_5] : memref<2x80x1x128xf32, #tpu.memory_space<vmem>> -> memref<1x80x1x128xf32, #tpu.memory_space<vmem>>
    %dma_start3A_7 = tpu.memref_squeeze %dma_start3A_6 : memref<1x80x1x128xf32, #tpu.memory_space<vmem>> -> memref<80x1x128xf32, #tpu.memory_space<vmem>>
    %dma_start3A_8 = arith.constant 0 : i32
    %dma_start3A_9 = tpu.memref_slice %arg7[%dma_start3A_8] : memref<10000xi32, #tpu.memory_space<vmem>> -> memref<80xi32, #tpu.memory_space<vmem>>
    %dma_start3A_10 = arith.constant 0 : i32
    %dma_start3A_11 = arith.constant 0 : i32
    %dma_start3A_12 = arith.constant 0 : i32
    %dma_start3A_13 = tpu.memref_slice %arg2[%dma_start3A_10, %dma_start3A_11, %dma_start3A_12] : memref<20000x1x128xf32, #tpu.memory_space<hbm>> -> memref<20000x1x128xf32, #tpu.memory_space<hbm>>
    tpu.enqueue_indirect_dma source(%dma_start3A_13 : memref<20000x1x128xf32, #tpu.memory_space<hbm>>) target(%dma_start3A_7 : memref<80x1x128xf32, #tpu.memory_space<vmem>>) offsets(%dma_start3A_9 : memref<80xi32, #tpu.memory_space<vmem>>) semaphore(%arg13 : memref<!tpu.dma_semaphore, #tpu.memory_space<semaphore_mem>>)
    %dma_start3A_14 = arith.constant 0 : i32
    %dma_start3A_15 = arith.constant 0 : i32
    %dma_start3A_16 = arith.constant 0 : i32
    %dma_start3A_17 = arith.constant 0 : i32
    %dma_start3A_18 = tpu.memref_slice %arg10[%dma_start3A_14, %dma_start3A_15, %dma_start3A_16, %dma_start3A_17] : memref<2x80x1x128xf32, #tpu.memory_space<vmem>> -> memref<1x80x1x128xf32, #tpu.memory_space<vmem>>
    %dma_start3A_19 = tpu.memref_squeeze %dma_start3A_18 : memref<1x80x1x128xf32, #tpu.memory_space<vmem>> -> memref<80x1x128xf32, #tpu.memory_space<vmem>>
    %dma_start3A_20 = arith.constant 0 : i32
    %dma_start3A_21 = tpu.memref_slice %arg8[%dma_start3A_20] : memref<10000xi32, #tpu.memory_space<vmem>> -> memref<80xi32, #tpu.memory_space<vmem>>
    %dma_start3A_22 = arith.constant 0 : i32
    %dma_start3A_23 = arith.constant 0 : i32
    %dma_start3A_24 = arith.constant 0 : i32
    %dma_start3A_25 = tpu.memref_slice %arg2[%dma_start3A_22, %dma_start3A_23, %dma_start3A_24] : memref<20000x1x128xf32, #tpu.memory_space<hbm>> -> memref<20000x1x128xf32, #tpu.memory_space<hbm>>
    tpu.enqueue_indirect_dma source(%dma_start3A_25 : memref<20000x1x128xf32, #tpu.memory_space<hbm>>) target(%dma_start3A_19 : memref<80x1x128xf32, #tpu.memory_space<vmem>>) offsets(%dma_start3A_21 : memref<80xi32, #tpu.memory_space<vmem>>) semaphore(%arg13 : memref<!tpu.dma_semaphore, #tpu.memory_space<semaphore_mem>>)
    %add3A_26 = arith.constant 0 : i32
    %add3A_27 = arith.addi %mul3A_2, %add3A_26 : i32
    %dma_start3A_28 = arith.constant 0 : i32
    %dma_start3A_29 = arith.constant 0 : i32
    %dma_start3A_30 = arith.constant 0 : i32
    %dma_start3A_31 = tpu.memref_slice %arg11[%dma_start3A_28, %dma_start3A_29, %dma_start3A_30] : memref<2x80x128xf32, #tpu.memory_space<vmem>> -> memref<1x80x128xf32, #tpu.memory_space<vmem>>
    %dma_start3A_32 = tpu.memref_squeeze %dma_start3A_31 : memref<1x80x128xf32, #tpu.memory_space<vmem>> -> memref<80x128xf32, #tpu.memory_space<vmem>>
    %dma_start3A_33 = arith.constant 0 : i32
    %dma_start3A_34 = tpu.memref_slice %arg5[%add3A_27, %dma_start3A_33] : memref<320000x128xf32, #tpu.memory_space<hbm>> -> memref<80x128xf32, #tpu.memory_space<hbm>>
    %dma_start3A_35 = arith.constant 0 : i32
    %dma_start3A_36 = arith.constant 0 : i32
    %dma_start3A_37 = tpu.memref_slice %arg11[%dma_start3A_28, %dma_start3A_35, %dma_start3A_36] : memref<2x80x128xf32, #tpu.memory_space<vmem>> -> memref<1x80x128xf32, #tpu.memory_space<vmem>>
    %dma_start3A_38 = tpu.memref_squeeze %dma_start3A_37 : memref<1x80x128xf32, #tpu.memory_space<vmem>> -> memref<80x128xf32, #tpu.memory_space<vmem>>
    %dma_start3A_39 = arith.constant 0 : i32
    %dma_start3A_40 = tpu.memref_slice %arg5[%add3A_27, %dma_start3A_39] : memref<320000x128xf32, #tpu.memory_space<hbm>> -> memref<80x128xf32, #tpu.memory_space<hbm>>
    tpu.enqueue_dma source(%dma_start3A_40 : memref<80x128xf32, #tpu.memory_space<hbm>>) target(%dma_start3A_38 : memref<80x128xf32, #tpu.memory_space<vmem>>) target_semaphore(%arg13 : memref<!tpu.dma_semaphore, #tpu.memory_space<semaphore_mem>>)
    %scan3A = arith.constant 0 : i32
    %scan3A_41 = arith.constant 0 : i32
    %scan3A_42 = arith.constant 62 : i32
    %scan3A_43 = arith.addi %scan3A_41, %scan3A_42 : i32
    %scan3A_44 = arith.constant 1 : i32
    scf.for %scan3A_106 = %scan3A_41 to %scan3A_43 step %scan3A_44  : i32 {
      %mul3A_107 = arith.constant 2 : i32
      %mul3A_108 = arith.muli %mul3A_107, %scan3A_106 : i32
      %add3A_109 = arith.constant 1 : i32
      %add3A_110 = arith.addi %mul3A_108, %add3A_109 : i32
      %mul3A_111 = arith.constant 80 : i32
      %mul3A_112 = arith.muli %add3A_110, %mul3A_111 : i32
      %dma_start3A_113 = arith.constant 1 : i32
      %dma_start3A_114 = arith.constant 0 : i32
      %dma_start3A_115 = arith.constant 0 : i32
      %dma_start3A_116 = arith.constant 0 : i32
      %dma_start3A_117 = tpu.memref_slice %arg9[%dma_start3A_113, %dma_start3A_114, %dma_start3A_115, %dma_start3A_116] : memref<2x80x1x128xf32, #tpu.memory_space<vmem>> -> memref<1x80x1x128xf32, #tpu.memory_space<vmem>>
      %dma_start3A_118 = tpu.memref_squeeze %dma_start3A_117 : memref<1x80x1x128xf32, #tpu.memory_space<vmem>> -> memref<80x1x128xf32, #tpu.memory_space<vmem>>
      %dma_start3A_119 = tpu.memref_slice %arg7[%mul3A_112] : memref<10000xi32, #tpu.memory_space<vmem>> -> memref<80xi32, #tpu.memory_space<vmem>>
      %dma_start3A_120 = arith.constant 0 : i32
      %dma_start3A_121 = arith.constant 0 : i32
      %dma_start3A_122 = arith.constant 0 : i32
      %dma_start3A_123 = tpu.memref_slice %arg2[%dma_start3A_120, %dma_start3A_121, %dma_start3A_122] : memref<20000x1x128xf32, #tpu.memory_space<hbm>> -> memref<20000x1x128xf32, #tpu.memory_space<hbm>>
      tpu.enqueue_indirect_dma source(%dma_start3A_123 : memref<20000x1x128xf32, #tpu.memory_space<hbm>>) target(%dma_start3A_118 : memref<80x1x128xf32, #tpu.memory_space<vmem>>) offsets(%dma_start3A_119 : memref<80xi32, #tpu.memory_space<vmem>>) semaphore(%arg14 : memref<!tpu.dma_semaphore, #tpu.memory_space<semaphore_mem>>)
      %dma_start3A_124 = arith.constant 1 : i32
      %dma_start3A_125 = arith.constant 0 : i32
      %dma_start3A_126 = arith.constant 0 : i32
      %dma_start3A_127 = arith.constant 0 : i32
      %dma_start3A_128 = tpu.memref_slice %arg10[%dma_start3A_124, %dma_start3A_125, %dma_start3A_126, %dma_start3A_127] : memref<2x80x1x128xf32, #tpu.memory_space<vmem>> -> memref<1x80x1x128xf32, #tpu.memory_space<vmem>>
      %dma_start3A_129 = tpu.memref_squeeze %dma_start3A_128 : memref<1x80x1x128xf32, #tpu.memory_space<vmem>> -> memref<80x1x128xf32, #tpu.memory_space<vmem>>
      %dma_start3A_130 = tpu.memref_slice %arg8[%mul3A_112] : memref<10000xi32, #tpu.memory_space<vmem>> -> memref<80xi32, #tpu.memory_space<vmem>>
      %dma_start3A_131 = arith.constant 0 : i32
      %dma_start3A_132 = arith.constant 0 : i32
      %dma_start3A_133 = arith.constant 0 : i32
      %dma_start3A_134 = tpu.memref_slice %arg2[%dma_start3A_131, %dma_start3A_132, %dma_start3A_133] : memref<20000x1x128xf32, #tpu.memory_space<hbm>> -> memref<20000x1x128xf32, #tpu.memory_space<hbm>>
      tpu.enqueue_indirect_dma source(%dma_start3A_134 : memref<20000x1x128xf32, #tpu.memory_space<hbm>>) target(%dma_start3A_129 : memref<80x1x128xf32, #tpu.memory_space<vmem>>) offsets(%dma_start3A_130 : memref<80xi32, #tpu.memory_space<vmem>>) semaphore(%arg14 : memref<!tpu.dma_semaphore, #tpu.memory_space<semaphore_mem>>)
      %add3A_135 = arith.addi %mul3A_2, %mul3A_112 : i32
      %dma_start3A_136 = arith.constant 1 : i32
      %dma_start3A_137 = arith.constant 0 : i32
      %dma_start3A_138 = arith.constant 0 : i32
      %dma_start3A_139 = tpu.memref_slice %arg11[%dma_start3A_136, %dma_start3A_137, %dma_start3A_138] : memref<2x80x128xf32, #tpu.memory_space<vmem>> -> memref<1x80x128xf32, #tpu.memory_space<vmem>>
      %dma_start3A_140 = tpu.memref_squeeze %dma_start3A_139 : memref<1x80x128xf32, #tpu.memory_space<vmem>> -> memref<80x128xf32, #tpu.memory_space<vmem>>
      %dma_start3A_141 = arith.constant 0 : i32
      %dma_start3A_142 = tpu.memref_slice %arg5[%add3A_135, %dma_start3A_141] : memref<320000x128xf32, #tpu.memory_space<hbm>> -> memref<80x128xf32, #tpu.memory_space<hbm>>
      %dma_start3A_143 = arith.constant 0 : i32
      %dma_start3A_144 = arith.constant 0 : i32
      %dma_start3A_145 = tpu.memref_slice %arg11[%dma_start3A_136, %dma_start3A_143, %dma_start3A_144] : memref<2x80x128xf32, #tpu.memory_space<vmem>> -> memref<1x80x128xf32, #tpu.memory_space<vmem>>
      %dma_start3A_146 = tpu.memref_squeeze %dma_start3A_145 : memref<1x80x128xf32, #tpu.memory_space<vmem>> -> memref<80x128xf32, #tpu.memory_space<vmem>>
      %dma_start3A_147 = arith.constant 0 : i32
      %dma_start3A_148 = tpu.memref_slice %arg5[%add3A_135, %dma_start3A_147] : memref<320000x128xf32, #tpu.memory_space<hbm>> -> memref<80x128xf32, #tpu.memory_space<hbm>>
      tpu.enqueue_dma source(%dma_start3A_148 : memref<80x128xf32, #tpu.memory_space<hbm>>) target(%dma_start3A_146 : memref<80x128xf32, #tpu.memory_space<vmem>>) target_semaphore(%arg14 : memref<!tpu.dma_semaphore, #tpu.memory_space<semaphore_mem>>)
      %dma_wait3A_149 = arith.constant 0 : i32
      %dma_wait3A_150 = arith.constant 0 : i32
      %dma_wait3A_151 = arith.constant 0 : i32
      %dma_wait3A_152 = arith.constant 0 : i32
      %dma_wait3A_153 = tpu.memref_slice %arg9[%dma_wait3A_149, %dma_wait3A_150, %dma_wait3A_151, %dma_wait3A_152] : memref<2x80x1x128xf32, #tpu.memory_space<vmem>> -> memref<1x80x1x128xf32, #tpu.memory_space<vmem>>
      %dma_wait3A_154 = tpu.memref_squeeze %dma_wait3A_153 : memref<1x80x1x128xf32, #tpu.memory_space<vmem>> -> memref<80x1x128xf32, #tpu.memory_space<vmem>>
      %dma_wait3A_155 = arith.constant 0 : i32
      %dma_wait3A_156 = arith.constant 0 : i32
      %dma_wait3A_157 = arith.constant 0 : i32
      %dma_wait3A_158 = tpu.memref_slice %arg2[%dma_wait3A_155, %dma_wait3A_156, %dma_wait3A_157] : memref<20000x1x128xf32, #tpu.memory_space<hbm>> -> memref<80x1x128xf32, #tpu.memory_space<hbm>>
      %dma_wait3A_159 = arith.constant 0 : i32
      %dma_wait3A_160 = arith.constant 0 : i32
      %dma_wait3A_161 = arith.constant 0 : i32
      %dma_wait3A_162 = tpu.memref_slice %arg9[%dma_wait3A_149, %dma_wait3A_159, %dma_wait3A_160, %dma_wait3A_161] : memref<2x80x1x128xf32, #tpu.memory_space<vmem>> -> memref<1x80x1x128xf32, #tpu.memory_space<vmem>>
      %dma_wait3A_163 = tpu.memref_squeeze %dma_wait3A_162 : memref<1x80x1x128xf32, #tpu.memory_space<vmem>> -> memref<80x1x128xf32, #tpu.memory_space<vmem>>
      %dma_wait3A_164 = arith.constant 0 : i32
      %dma_wait3A_165 = arith.constant 0 : i32
      %dma_wait3A_166 = arith.constant 0 : i32
      %dma_wait3A_167 = tpu.memref_slice %arg2[%dma_wait3A_164, %dma_wait3A_165, %dma_wait3A_166] : memref<20000x1x128xf32, #tpu.memory_space<hbm>> -> memref<80x1x128xf32, #tpu.memory_space<hbm>>
      tpu.wait_dma2 semaphore(%arg13 : memref<!tpu.dma_semaphore, #tpu.memory_space<semaphore_mem>>) src(%dma_wait3A_167 : memref<80x1x128xf32, #tpu.memory_space<hbm>>) dst(%dma_wait3A_163 : memref<80x1x128xf32, #tpu.memory_space<vmem>>)
      %dma_wait3A_168 = arith.constant 0 : i32
      %dma_wait3A_169 = arith.constant 0 : i32
      %dma_wait3A_170 = arith.constant 0 : i32
      %dma_wait3A_171 = arith.constant 0 : i32
      %dma_wait3A_172 = tpu.memref_slice %arg10[%dma_wait3A_168, %dma_wait3A_169, %dma_wait3A_170, %dma_wait3A_171] : memref<2x80x1x128xf32, #tpu.memory_space<vmem>> -> memref<1x80x1x128xf32, #tpu.memory_space<vmem>>
      %dma_wait3A_173 = tpu.memref_squeeze %dma_wait3A_172 : memref<1x80x1x128xf32, #tpu.memory_space<vmem>> -> memref<80x1x128xf32, #tpu.memory_space<vmem>>
      %dma_wait3A_174 = arith.constant 0 : i32
      %dma_wait3A_175 = arith.constant 0 : i32
      %dma_wait3A_176 = arith.constant 0 : i32
      %dma_wait3A_177 = tpu.memref_slice %arg2[%dma_wait3A_174, %dma_wait3A_175, %dma_wait3A_176] : memref<20000x1x128xf32, #tpu.memory_space<hbm>> -> memref<80x1x128xf32, #tpu.memory_space<hbm>>
      %dma_wait3A_178 = arith.constant 0 : i32
      %dma_wait3A_179 = arith.constant 0 : i32
      %dma_wait3A_180 = arith.constant 0 : i32
      %dma_wait3A_181 = tpu.memref_slice %arg10[%dma_wait3A_168, %dma_wait3A_178, %dma_wait3A_179, %dma_wait3A_180] : memref<2x80x1x128xf32, #tpu.memory_space<vmem>> -> memref<1x80x1x128xf32, #tpu.memory_space<vmem>>
      %dma_wait3A_182 = tpu.memref_squeeze %dma_wait3A_181 : memref<1x80x1x128xf32, #tpu.memory_space<vmem>> -> memref<80x1x128xf32, #tpu.memory_space<vmem>>
      %dma_wait3A_183 = arith.constant 0 : i32
      %dma_wait3A_184 = arith.constant 0 : i32
      %dma_wait3A_185 = arith.constant 0 : i32
      %dma_wait3A_186 = tpu.memref_slice %arg2[%dma_wait3A_183, %dma_wait3A_184, %dma_wait3A_185] : memref<20000x1x128xf32, #tpu.memory_space<hbm>> -> memref<80x1x128xf32, #tpu.memory_space<hbm>>
      tpu.wait_dma2 semaphore(%arg13 : memref<!tpu.dma_semaphore, #tpu.memory_space<semaphore_mem>>) src(%dma_wait3A_186 : memref<80x1x128xf32, #tpu.memory_space<hbm>>) dst(%dma_wait3A_182 : memref<80x1x128xf32, #tpu.memory_space<vmem>>)
      %dma_wait3A_187 = arith.constant 0 : i32
      %dma_wait3A_188 = arith.constant 0 : i32
      %dma_wait3A_189 = arith.constant 0 : i32
      %dma_wait3A_190 = tpu.memref_slice %arg11[%dma_wait3A_187, %dma_wait3A_188, %dma_wait3A_189] : memref<2x80x128xf32, #tpu.memory_space<vmem>> -> memref<1x80x128xf32, #tpu.memory_space<vmem>>
      %dma_wait3A_191 = tpu.memref_squeeze %dma_wait3A_190 : memref<1x80x128xf32, #tpu.memory_space<vmem>> -> memref<80x128xf32, #tpu.memory_space<vmem>>
      %dma_wait3A_192 = arith.constant 0 : i32
      %dma_wait3A_193 = arith.constant 0 : i32
      %dma_wait3A_194 = tpu.memref_slice %arg5[%dma_wait3A_192, %dma_wait3A_193] : memref<320000x128xf32, #tpu.memory_space<hbm>> -> memref<80x128xf32, #tpu.memory_space<hbm>>
      %dma_wait3A_195 = arith.constant 0 : i32
      %dma_wait3A_196 = arith.constant 0 : i32
      %dma_wait3A_197 = tpu.memref_slice %arg11[%dma_wait3A_187, %dma_wait3A_195, %dma_wait3A_196] : memref<2x80x128xf32, #tpu.memory_space<vmem>> -> memref<1x80x128xf32, #tpu.memory_space<vmem>>
      %dma_wait3A_198 = tpu.memref_squeeze %dma_wait3A_197 : memref<1x80x128xf32, #tpu.memory_space<vmem>> -> memref<80x128xf32, #tpu.memory_space<vmem>>
      %dma_wait3A_199 = arith.constant 0 : i32
      %dma_wait3A_200 = arith.constant 0 : i32
      %dma_wait3A_201 = tpu.memref_slice %arg5[%dma_wait3A_199, %dma_wait3A_200] : memref<320000x128xf32, #tpu.memory_space<hbm>> -> memref<80x128xf32, #tpu.memory_space<hbm>>
      tpu.wait_dma2 semaphore(%arg13 : memref<!tpu.dma_semaphore, #tpu.memory_space<semaphore_mem>>) src(%dma_wait3A_201 : memref<80x128xf32, #tpu.memory_space<hbm>>) dst(%dma_wait3A_198 : memref<80x128xf32, #tpu.memory_space<vmem>>)
      %mul3A_202 = arith.constant 2 : i32
      %mul3A_203 = arith.muli %mul3A_202, %scan3A_106 : i32
      %scan3A_204 = arith.constant 0 : i32
      %scan3A_205 = arith.constant 0 : i32
      %scan3A_206 = arith.constant 80 : i32
      %scan3A_207 = arith.addi %scan3A_205, %scan3A_206 : i32
      %scan3A_208 = arith.constant 1 : i32
      scf.for %scan3A_323 = %scan3A_205 to %scan3A_207 step %scan3A_208  : i32 {
        %get3A = arith.constant 0 : i32
        %get3A_324 = arith.constant 0 : i32
        %get3A_325 = arith.index_cast %get3A : i32 to index
        %get3A_326 = arith.index_cast %scan3A_323 : i32 to index
        %get3A_327 = arith.index_cast %get3A_324 : i32 to index
        %get3A_328 = arith.constant 0 : index
        %get3A_329 = tpu.vector_load %arg9[%get3A_325, %get3A_326, %get3A_327, %get3A_328] {strides = array<i32>} : memref<2x80x1x128xf32, #tpu.memory_space<vmem>>, vector<1x1x1x16xf32>,
        %get3A_330 = vector.shape_cast %get3A_329 : vector<1x1x1x16xf32> to vector<16xf32>
        %get3A_331 = arith.constant 0 : i32
        %get3A_332 = arith.constant 0 : i32
        %get3A_333 = arith.index_cast %get3A_331 : i32 to index
        %get3A_334 = arith.index_cast %scan3A_323 : i32 to index
        %get3A_335 = arith.index_cast %get3A_332 : i32 to index
        %get3A_336 = arith.constant 0 : index
        %get3A_337 = tpu.vector_load %arg10[%get3A_333, %get3A_334, %get3A_335, %get3A_336] {strides = array<i32>} : memref<2x80x1x128xf32, #tpu.memory_space<vmem>>, vector<1x1x1x16xf32>,
        %get3A_338 = vector.shape_cast %get3A_337 : vector<1x1x1x16xf32> to vector<16xf32>
        %add3A_339 = arith.addf %get3A_330, %get3A_338 : vector<16xf32>
        %get3A_340 = arith.constant 0 : i32
        %get3A_341 = arith.index_cast %get3A_340 : i32 to index
        %get3A_342 = arith.index_cast %scan3A_323 : i32 to index
        %get3A_343 = arith.constant 0 : index
        %get3A_344 = tpu.vector_load %arg11[%get3A_341, %get3A_342, %get3A_343] {strides = array<i32>} : memref<2x80x128xf32, #tpu.memory_space<vmem>>, vector<1x1x16xf32>,
        %get3A_345 = vector.shape_cast %get3A_344 : vector<1x1x16xf32> to vector<16xf32>
        %add3A_346 = arith.addf %add3A_339, %get3A_345 : vector<16xf32>
        %swap3A = arith.constant 0 : i32
        %swap3A_347 = arith.index_cast %swap3A : i32 to index
        %swap3A_348 = arith.index_cast %scan3A_323 : i32 to index
        %swap3A_349 = arith.constant 0 : index
        %swap3A_350 = tpu.vector_load %arg12[%swap3A_347, %swap3A_348, %swap3A_349] {strides = array<i32>} : memref<2x80x128xf32, #tpu.memory_space<vmem>>, vector<1x1x16xf32>,
        %swap3A_351 = vector.shape_cast %swap3A_350 : vector<1x1x16xf32> to vector<16xf32>
        %swap3A_352 = vector.shape_cast %add3A_346 : vector<16xf32> to vector<1x1x16xf32>
        tpu.vector_store %arg12[%swap3A_347, %swap3A_348, %swap3A_349], %swap3A_352 {strides = array<i32>} : memref<2x80x128xf32, #tpu.memory_space<vmem>>, vector<1x1x16xf32>,
        %get3A_353 = arith.constant 0 : i32
        %get3A_354 = arith.constant 0 : i32
        %get3A_355 = arith.index_cast %get3A_353 : i32 to index
        %get3A_356 = arith.index_cast %scan3A_323 : i32 to index
        %get3A_357 = arith.index_cast %get3A_354 : i32 to index
        %get3A_358 = arith.constant 16 : index
        %get3A_359 = tpu.vector_load %arg9[%get3A_355, %get3A_356, %get3A_357, %get3A_358] {strides = array<i32>} : memref<2x80x1x128xf32, #tpu.memory_space<vmem>>, vector<1x1x1x16xf32>,
        %get3A_360 = vector.shape_cast %get3A_359 : vector<1x1x1x16xf32> to vector<16xf32>
        %get3A_361 = arith.constant 0 : i32
        %get3A_362 = arith.constant 0 : i32
        %get3A_363 = arith.index_cast %get3A_361 : i32 to index
        %get3A_364 = arith.index_cast %scan3A_323 : i32 to index
        %get3A_365 = arith.index_cast %get3A_362 : i32 to index
        %get3A_366 = arith.constant 16 : index
        %get3A_367 = tpu.vector_load %arg10[%get3A_363, %get3A_364, %get3A_365, %get3A_366] {strides = array<i32>} : memref<2x80x1x128xf32, #tpu.memory_space<vmem>>, vector<1x1x1x16xf32>,
        %get3A_368 = vector.shape_cast %get3A_367 : vector<1x1x1x16xf32> to vector<16xf32>
        %add3A_369 = arith.addf %get3A_360, %get3A_368 : vector<16xf32>
        %get3A_370 = arith.constant 0 : i32
        %get3A_371 = arith.index_cast %get3A_370 : i32 to index
        %get3A_372 = arith.index_cast %scan3A_323 : i32 to index
        %get3A_373 = arith.constant 16 : index
        %get3A_374 = tpu.vector_load %arg11[%get3A_371, %get3A_372, %get3A_373] {strides = array<i32>} : memref<2x80x128xf32, #tpu.memory_space<vmem>>, vector<1x1x16xf32>,
        %get3A_375 = vector.shape_cast %get3A_374 : vector<1x1x16xf32> to vector<16xf32>
        %add3A_376 = arith.addf %add3A_369, %get3A_375 : vector<16xf32>
        %swap3A_377 = arith.constant 0 : i32
        %swap3A_378 = arith.index_cast %swap3A_377 : i32 to index
        %swap3A_379 = arith.index_cast %scan3A_323 : i32 to index
        %swap3A_380 = arith.constant 16 : index
        %swap3A_381 = tpu.vector_load %arg12[%swap3A_378, %swap3A_379, %swap3A_380] {strides = array<i32>} : memref<2x80x128xf32, #tpu.memory_space<vmem>>, vector<1x1x16xf32>,
        %swap3A_382 = vector.shape_cast %swap3A_381 : vector<1x1x16xf32> to vector<16xf32>
        %swap3A_383 = vector.shape_cast %add3A_376 : vector<16xf32> to vector<1x1x16xf32>
        tpu.vector_store %arg12[%swap3A_378, %swap3A_379, %swap3A_380], %swap3A_383 {strides = array<i32>} : memref<2x80x128xf32, #tpu.memory_space<vmem>>, vector<1x1x16xf32>,
        %get3A_384 = arith.constant 0 : i32
        %get3A_385 = arith.constant 0 : i32
        %get3A_386 = arith.index_cast %get3A_384 : i32 to index
        %get3A_387 = arith.index_cast %scan3A_323 : i32 to index
        %get3A_388 = arith.index_cast %get3A_385 : i32 to index
        %get3A_389 = arith.constant 32 : index
        %get3A_390 = tpu.vector_load %arg9[%get3A_386, %get3A_387, %get3A_388, %get3A_389] {strides = array<i32>} : memref<2x80x1x128xf32, #tpu.memory_space<vmem>>, vector<1x1x1x16xf32>,
        %get3A_391 = vector.shape_cast %get3A_390 : vector<1x1x1x16xf32> to vector<16xf32>
        %get3A_392 = arith.constant 0 : i32
        %get3A_393 = arith.constant 0 : i32
        %get3A_394 = arith.index_cast %get3A_392 : i32 to index
        %get3A_395 = arith.index_cast %scan3A_323 : i32 to index
        %get3A_396 = arith.index_cast %get3A_393 : i32 to index
        %get3A_397 = arith.constant 32 : index
        %get3A_398 = tpu.vector_load %arg10[%get3A_394, %get3A_395, %get3A_396, %get3A_397] {strides = array<i32>} : memref<2x80x1x128xf32, #tpu.memory_space<vmem>>, vector<1x1x1x16xf32>,
        %get3A_399 = vector.shape_cast %get3A_398 : vector<1x1x1x16xf32> to vector<16xf32>
        %add3A_400 = arith.addf %get3A_391, %get3A_399 : vector<16xf32>
        %get3A_401 = arith.constant 0 : i32
        %get3A_402 = arith.index_cast %get3A_401 : i32 to index
        %get3A_403 = arith.index_cast %scan3A_323 : i32 to index
        %get3A_404 = arith.constant 32 : index
        %get3A_405 = tpu.vector_load %arg11[%get3A_402, %get3A_403, %get3A_404] {strides = array<i32>} : memref<2x80x128xf32, #tpu.memory_space<vmem>>, vector<1x1x16xf32>,
        %get3A_406 = vector.shape_cast %get3A_405 : vector<1x1x16xf32> to vector<16xf32>
        %add3A_407 = arith.addf %add3A_400, %get3A_406 : vector<16xf32>
        %swap3A_408 = arith.constant 0 : i32
        %swap3A_409 = arith.index_cast %swap3A_408 : i32 to index
        %swap3A_410 = arith.index_cast %scan3A_323 : i32 to index
        %swap3A_411 = arith.constant 32 : index
        %swap3A_412 = tpu.vector_load %arg12[%swap3A_409, %swap3A_410, %swap3A_411] {strides = array<i32>} : memref<2x80x128xf32, #tpu.memory_space<vmem>>, vector<1x1x16xf32>,
        %swap3A_413 = vector.shape_cast %swap3A_412 : vector<1x1x16xf32> to vector<16xf32>
        %swap3A_414 = vector.shape_cast %add3A_407 : vector<16xf32> to vector<1x1x16xf32>
        tpu.vector_store %arg12[%swap3A_409, %swap3A_410, %swap3A_411], %swap3A_414 {strides = array<i32>} : memref<2x80x128xf32, #tpu.memory_space<vmem>>, vector<1x1x16xf32>,
        %get3A_415 = arith.constant 0 : i32
        %get3A_416 = arith.constant 0 : i32
        %get3A_417 = arith.index_cast %get3A_415 : i32 to index
        %get3A_418 = arith.index_cast %scan3A_323 : i32 to index
        %get3A_419 = arith.index_cast %get3A_416 : i32 to index
        %get3A_420 = arith.constant 48 : index
        %get3A_421 = tpu.vector_load %arg9[%get3A_417, %get3A_418, %get3A_419, %get3A_420] {strides = array<i32>} : memref<2x80x1x128xf32, #tpu.memory_space<vmem>>, vector<1x1x1x16xf32>,
        %get3A_422 = vector.shape_cast %get3A_421 : vector<1x1x1x16xf32> to vector<16xf32>
        %get3A_423 = arith.constant 0 : i32
        %get3A_424 = arith.constant 0 : i32
        %get3A_425 = arith.index_cast %get3A_423 : i32 to index
        %get3A_426 = arith.index_cast %scan3A_323 : i32 to index
        %get3A_427 = arith.index_cast %get3A_424 : i32 to index
        %get3A_428 = arith.constant 48 : index
        %get3A_429 = tpu.vector_load %arg10[%get3A_425, %get3A_426, %get3A_427, %get3A_428] {strides = array<i32>} : memref<2x80x1x128xf32, #tpu.memory_space<vmem>>, vector<1x1x1x16xf32>,
        %get3A_430 = vector.shape_cast %get3A_429 : vector<1x1x1x16xf32> to vector<16xf32>
        %add3A_431 = arith.addf %get3A_422, %get3A_430 : vector<16xf32>
        %get3A_432 = arith.constant 0 : i32
        %get3A_433 = arith.index_cast %get3A_432 : i32 to index
        %get3A_434 = arith.index_cast %scan3A_323 : i32 to index
        %get3A_435 = arith.constant 48 : index
        %get3A_436 = tpu.vector_load %arg11[%get3A_433, %get3A_434, %get3A_435] {strides = array<i32>} : memref<2x80x128xf32, #tpu.memory_space<vmem>>, vector<1x1x16xf32>,
        %get3A_437 = vector.shape_cast %get3A_436 : vector<1x1x16xf32> to vector<16xf32>
        %add3A_438 = arith.addf %add3A_431, %get3A_437 : vector<16xf32>
        %swap3A_439 = arith.constant 0 : i32
        %swap3A_440 = arith.index_cast %swap3A_439 : i32 to index
        %swap3A_441 = arith.index_cast %scan3A_323 : i32 to index
        %swap3A_442 = arith.constant 48 : index
        %swap3A_443 = tpu.vector_load %arg12[%swap3A_440, %swap3A_441, %swap3A_442] {strides = array<i32>} : memref<2x80x128xf32, #tpu.memory_space<vmem>>, vector<1x1x16xf32>,
        %swap3A_444 = vector.shape_cast %swap3A_443 : vector<1x1x16xf32> to vector<16xf32>
        %swap3A_445 = vector.shape_cast %add3A_438 : vector<16xf32> to vector<1x1x16xf32>
        tpu.vector_store %arg12[%swap3A_440, %swap3A_441, %swap3A_442], %swap3A_445 {strides = array<i32>} : memref<2x80x128xf32, #tpu.memory_space<vmem>>, vector<1x1x16xf32>,
        %get3A_446 = arith.constant 0 : i32
        %get3A_447 = arith.constant 0 : i32
        %get3A_448 = arith.index_cast %get3A_446 : i32 to index
        %get3A_449 = arith.index_cast %scan3A_323 : i32 to index
        %get3A_450 = arith.index_cast %get3A_447 : i32 to index
        %get3A_451 = arith.constant 64 : index
        %get3A_452 = tpu.vector_load %arg9[%get3A_448, %get3A_449, %get3A_450, %get3A_451] {strides = array<i32>} : memref<2x80x1x128xf32, #tpu.memory_space<vmem>>, vector<1x1x1x16xf32>,
        %get3A_453 = vector.shape_cast %get3A_452 : vector<1x1x1x16xf32> to vector<16xf32>
        %get3A_454 = arith.constant 0 : i32
        %get3A_455 = arith.constant 0 : i32
        %get3A_456 = arith.index_cast %get3A_454 : i32 to index
        %get3A_457 = arith.index_cast %scan3A_323 : i32 to index
        %get3A_458 = arith.index_cast %get3A_455 : i32 to index
        %get3A_459 = arith.constant 64 : index
        %get3A_460 = tpu.vector_load %arg10[%get3A_456, %get3A_457, %get3A_458, %get3A_459] {strides = array<i32>} : memref<2x80x1x128xf32, #tpu.memory_space<vmem>>, vector<1x1x1x16xf32>,
        %get3A_461 = vector.shape_cast %get3A_460 : vector<1x1x1x16xf32> to vector<16xf32>
        %add3A_462 = arith.addf %get3A_453, %get3A_461 : vector<16xf32>
        %get3A_463 = arith.constant 0 : i32
        %get3A_464 = arith.index_cast %get3A_463 : i32 to index
        %get3A_465 = arith.index_cast %scan3A_323 : i32 to index
        %get3A_466 = arith.constant 64 : index
        %get3A_467 = tpu.vector_load %arg11[%get3A_464, %get3A_465, %get3A_466] {strides = array<i32>} : memref<2x80x128xf32, #tpu.memory_space<vmem>>, vector<1x1x16xf32>,
        %get3A_468 = vector.shape_cast %get3A_467 : vector<1x1x16xf32> to vector<16xf32>
        %add3A_469 = arith.addf %add3A_462, %get3A_468 : vector<16xf32>
        %swap3A_470 = arith.constant 0 : i32
        %swap3A_471 = arith.index_cast %swap3A_470 : i32 to index
        %swap3A_472 = arith.index_cast %scan3A_323 : i32 to index
        %swap3A_473 = arith.constant 64 : index
        %swap3A_474 = tpu.vector_load %arg12[%swap3A_471, %swap3A_472, %swap3A_473] {strides = array<i32>} : memref<2x80x128xf32, #tpu.memory_space<vmem>>, vector<1x1x16xf32>,
        %swap3A_475 = vector.shape_cast %swap3A_474 : vector<1x1x16xf32> to vector<16xf32>
        %swap3A_476 = vector.shape_cast %add3A_469 : vector<16xf32> to vector<1x1x16xf32>
        tpu.vector_store %arg12[%swap3A_471, %swap3A_472, %swap3A_473], %swap3A_476 {strides = array<i32>} : memref<2x80x128xf32, #tpu.memory_space<vmem>>, vector<1x1x16xf32>,
        %get3A_477 = arith.constant 0 : i32
        %get3A_478 = arith.constant 0 : i32
        %get3A_479 = arith.index_cast %get3A_477 : i32 to index
        %get3A_480 = arith.index_cast %scan3A_323 : i32 to index
        %get3A_481 = arith.index_cast %get3A_478 : i32 to index
        %get3A_482 = arith.constant 80 : index
        %get3A_483 = tpu.vector_load %arg9[%get3A_479, %get3A_480, %get3A_481, %get3A_482] {strides = array<i32>} : memref<2x80x1x128xf32, #tpu.memory_space<vmem>>, vector<1x1x1x16xf32>,
        %get3A_484 = vector.shape_cast %get3A_483 : vector<1x1x1x16xf32> to vector<16xf32>
        %get3A_485 = arith.constant 0 : i32
        %get3A_486 = arith.constant 0 : i32
        %get3A_487 = arith.index_cast %get3A_485 : i32 to index
        %get3A_488 = arith.index_cast %scan3A_323 : i32 to index
        %get3A_489 = arith.index_cast %get3A_486 : i32 to index
        %get3A_490 = arith.constant 80 : index
        %get3A_491 = tpu.vector_load %arg10[%get3A_487, %get3A_488, %get3A_489, %get3A_490] {strides = array<i32>} : memref<2x80x1x128xf32, #tpu.memory_space<vmem>>, vector<1x1x1x16xf32>,
        %get3A_492 = vector.shape_cast %get3A_491 : vector<1x1x1x16xf32> to vector<16xf32>
        %add3A_493 = arith.addf %get3A_484, %get3A_492 : vector<16xf32>
        %get3A_494 = arith.constant 0 : i32
        %get3A_495 = arith.index_cast %get3A_494 : i32 to index
        %get3A_496 = arith.index_cast %scan3A_323 : i32 to index
        %get3A_497 = arith.constant 80 : index
        %get3A_498 = tpu.vector_load %arg11[%get3A_495, %get3A_496, %get3A_497] {strides = array<i32>} : memref<2x80x128xf32, #tpu.memory_space<vmem>>, vector<1x1x16xf32>,
        %get3A_499 = vector.shape_cast %get3A_498 : vector<1x1x16xf32> to vector<16xf32>
        %add3A_500 = arith.addf %add3A_493, %get3A_499 : vector<16xf32>
        %swap3A_501 = arith.constant 0 : i32
        %swap3A_502 = arith.index_cast %swap3A_501 : i32 to index
        %swap3A_503 = arith.index_cast %scan3A_323 : i32 to index
        %swap3A_504 = arith.constant 80 : index
        %swap3A_505 = tpu.vector_load %arg12[%swap3A_502, %swap3A_503, %swap3A_504] {strides = array<i32>} : memref<2x80x128xf32, #tpu.memory_space<vmem>>, vector<1x1x16xf32>,
        %swap3A_506 = vector.shape_cast %swap3A_505 : vector<1x1x16xf32> to vector<16xf32>
        %swap3A_507 = vector.shape_cast %add3A_500 : vector<16xf32> to vector<1x1x16xf32>
        tpu.vector_store %arg12[%swap3A_502, %swap3A_503, %swap3A_504], %swap3A_507 {strides = array<i32>} : memref<2x80x128xf32, #tpu.memory_space<vmem>>, vector<1x1x16xf32>,
        %get3A_508 = arith.constant 0 : i32
        %get3A_509 = arith.constant 0 : i32
        %get3A_510 = arith.index_cast %get3A_508 : i32 to index
        %get3A_511 = arith.index_cast %scan3A_323 : i32 to index
        %get3A_512 = arith.index_cast %get3A_509 : i32 to index
        %get3A_513 = arith.constant 96 : index
        %get3A_514 = tpu.vector_load %arg9[%get3A_510, %get3A_511, %get3A_512, %get3A_513] {strides = array<i32>} : memref<2x80x1x128xf32, #tpu.memory_space<vmem>>, vector<1x1x1x16xf32>,
        %get3A_515 = vector.shape_cast %get3A_514 : vector<1x1x1x16xf32> to vector<16xf32>
        %get3A_516 = arith.constant 0 : i32
        %get3A_517 = arith.constant 0 : i32
        %get3A_518 = arith.index_cast %get3A_516 : i32 to index
        %get3A_519 = arith.index_cast %scan3A_323 : i32 to index
        %get3A_520 = arith.index_cast %get3A_517 : i32 to index
        %get3A_521 = arith.constant 96 : index
        %get3A_522 = tpu.vector_load %arg10[%get3A_518, %get3A_519, %get3A_520, %get3A_521] {strides = array<i32>} : memref<2x80x1x128xf32, #tpu.memory_space<vmem>>, vector<1x1x1x16xf32>,
        %get3A_523 = vector.shape_cast %get3A_522 : vector<1x1x1x16xf32> to vector<16xf32>
        %add3A_524 = arith.addf %get3A_515, %get3A_523 : vector<16xf32>
        %get3A_525 = arith.constant 0 : i32
        %get3A_526 = arith.index_cast %get3A_525 : i32 to index
        %get3A_527 = arith.index_cast %scan3A_323 : i32 to index
        %get3A_528 = arith.constant 96 : index
        %get3A_529 = tpu.vector_load %arg11[%get3A_526, %get3A_527, %get3A_528] {strides = array<i32>} : memref<2x80x128xf32, #tpu.memory_space<vmem>>, vector<1x1x16xf32>,
        %get3A_530 = vector.shape_cast %get3A_529 : vector<1x1x16xf32> to vector<16xf32>
        %add3A_531 = arith.addf %add3A_524, %get3A_530 : vector<16xf32>
        %swap3A_532 = arith.constant 0 : i32
        %swap3A_533 = arith.index_cast %swap3A_532 : i32 to index
        %swap3A_534 = arith.index_cast %scan3A_323 : i32 to index
        %swap3A_535 = arith.constant 96 : index
        %swap3A_536 = tpu.vector_load %arg12[%swap3A_533, %swap3A_534, %swap3A_535] {strides = array<i32>} : memref<2x80x128xf32, #tpu.memory_space<vmem>>, vector<1x1x16xf32>,
        %swap3A_537 = vector.shape_cast %swap3A_536 : vector<1x1x16xf32> to vector<16xf32>
        %swap3A_538 = vector.shape_cast %add3A_531 : vector<16xf32> to vector<1x1x16xf32>
        tpu.vector_store %arg12[%swap3A_533, %swap3A_534, %swap3A_535], %swap3A_538 {strides = array<i32>} : memref<2x80x128xf32, #tpu.memory_space<vmem>>, vector<1x1x16xf32>,
        %get3A_539 = arith.constant 0 : i32
        %get3A_540 = arith.constant 0 : i32
        %get3A_541 = arith.index_cast %get3A_539 : i32 to index
        %get3A_542 = arith.index_cast %scan3A_323 : i32 to index
        %get3A_543 = arith.index_cast %get3A_540 : i32 to index
        %get3A_544 = arith.constant 112 : index
        %get3A_545 = tpu.vector_load %arg9[%get3A_541, %get3A_542, %get3A_543, %get3A_544] {strides = array<i32>} : memref<2x80x1x128xf32, #tpu.memory_space<vmem>>, vector<1x1x1x16xf32>,
        %get3A_546 = vector.shape_cast %get3A_545 : vector<1x1x1x16xf32> to vector<16xf32>
        %get3A_547 = arith.constant 0 : i32
        %get3A_548 = arith.constant 0 : i32
        %get3A_549 = arith.index_cast %get3A_547 : i32 to index
        %get3A_550 = arith.index_cast %scan3A_323 : i32 to index
        %get3A_551 = arith.index_cast %get3A_548 : i32 to index
        %get3A_552 = arith.constant 112 : index
        %get3A_553 = tpu.vector_load %arg10[%get3A_549, %get3A_550, %get3A_551, %get3A_552] {strides = array<i32>} : memref<2x80x1x128xf32, #tpu.memory_space<vmem>>, vector<1x1x1x16xf32>,
        %get3A_554 = vector.shape_cast %get3A_553 : vector<1x1x1x16xf32> to vector<16xf32>
        %add3A_555 = arith.addf %get3A_546, %get3A_554 : vector<16xf32>
        %get3A_556 = arith.constant 0 : i32
        %get3A_557 = arith.index_cast %get3A_556 : i32 to index
        %get3A_558 = arith.index_cast %scan3A_323 : i32 to index
        %get3A_559 = arith.constant 112 : index
        %get3A_560 = tpu.vector_load %arg11[%get3A_557, %get3A_558, %get3A_559] {strides = array<i32>} : memref<2x80x128xf32, #tpu.memory_space<vmem>>, vector<1x1x16xf32>,
        %get3A_561 = vector.shape_cast %get3A_560 : vector<1x1x16xf32> to vector<16xf32>
        %add3A_562 = arith.addf %add3A_555, %get3A_561 : vector<16xf32>
        %swap3A_563 = arith.constant 0 : i32
        %swap3A_564 = arith.index_cast %swap3A_563 : i32 to index
        %swap3A_565 = arith.index_cast %scan3A_323 : i32 to index
        %swap3A_566 = arith.constant 112 : index
        %swap3A_567 = tpu.vector_load %arg12[%swap3A_564, %swap3A_565, %swap3A_566] {strides = array<i32>} : memref<2x80x128xf32, #tpu.memory_space<vmem>>, vector<1x1x16xf32>,
        %swap3A_568 = vector.shape_cast %swap3A_567 : vector<1x1x16xf32> to vector<16xf32>
        %swap3A_569 = vector.shape_cast %add3A_562 : vector<16xf32> to vector<1x1x16xf32>
        tpu.vector_store %arg12[%swap3A_564, %swap3A_565, %swap3A_566], %swap3A_569 {strides = array<i32>} : memref<2x80x128xf32, #tpu.memory_space<vmem>>, vector<1x1x16xf32>,
      }
      %scan3A_209 = arith.constant 80 : i32
      %mul3A_210 = arith.constant 80 : i32
      %mul3A_211 = arith.muli %mul3A_203, %mul3A_210 : i32
      %add3A_212 = arith.addi %mul3A_2, %mul3A_211 : i32
      %run_scoped3A_213 = arith.constant 0 : i32
      "tpu.region"() ({
        %run_scoped3A_323 = tpu.sem_alloc : memref<!tpu.dma_semaphore, #tpu.memory_space<semaphore_mem>>
        %dma_start3A_324 = arith.constant 0 : i32
        %dma_start3A_325 = arith.constant 0 : i32
        %dma_start3A_326 = tpu.memref_slice %arg12[%run_scoped3A_213, %dma_start3A_324, %dma_start3A_325] : memref<2x80x128xf32, #tpu.memory_space<vmem>> -> memref<1x80x128xf32, #tpu.memory_space<vmem>>
        %dma_start3A_327 = tpu.memref_squeeze %dma_start3A_326 : memref<1x80x128xf32, #tpu.memory_space<vmem>> -> memref<80x128xf32, #tpu.memory_space<vmem>>
        %dma_start3A_328 = arith.constant 0 : i32
        %dma_start3A_329 = tpu.memref_slice %arg6[%add3A_212, %dma_start3A_328] : memref<320000x128xf32, #tpu.memory_space<hbm>> -> memref<80x128xf32, #tpu.memory_space<hbm>>
        %dma_start3A_330 = arith.constant 0 : i32
        %dma_start3A_331 = tpu.memref_slice %arg6[%add3A_212, %dma_start3A_330] : memref<320000x128xf32, #tpu.memory_space<hbm>> -> memref<80x128xf32, #tpu.memory_space<hbm>>
        %dma_start3A_332 = arith.constant 0 : i32
        %dma_start3A_333 = arith.constant 0 : i32
        %dma_start3A_334 = tpu.memref_slice %arg12[%run_scoped3A_213, %dma_start3A_332, %dma_start3A_333] : memref<2x80x128xf32, #tpu.memory_space<vmem>> -> memref<1x80x128xf32, #tpu.memory_space<vmem>>
        %dma_start3A_335 = tpu.memref_squeeze %dma_start3A_334 : memref<1x80x128xf32, #tpu.memory_space<vmem>> -> memref<80x128xf32, #tpu.memory_space<vmem>>
        tpu.enqueue_dma source(%dma_start3A_335 : memref<80x128xf32, #tpu.memory_space<vmem>>) target(%dma_start3A_331 : memref<80x128xf32, #tpu.memory_space<hbm>>) target_semaphore(%run_scoped3A_323 : memref<!tpu.dma_semaphore, #tpu.memory_space<semaphore_mem>>)
        %dma_wait3A_336 = arith.constant 0 : i32
        %dma_wait3A_337 = arith.constant 0 : i32
        %dma_wait3A_338 = tpu.memref_slice %arg12[%run_scoped3A_213, %dma_wait3A_336, %dma_wait3A_337] : memref<2x80x128xf32, #tpu.memory_space<vmem>> -> memref<1x80x128xf32, #tpu.memory_space<vmem>>
        %dma_wait3A_339 = tpu.memref_squeeze %dma_wait3A_338 : memref<1x80x128xf32, #tpu.memory_space<vmem>> -> memref<80x128xf32, #tpu.memory_space<vmem>>
        %dma_wait3A_340 = arith.constant 0 : i32
        %dma_wait3A_341 = tpu.memref_slice %arg6[%add3A_212, %dma_wait3A_340] : memref<320000x128xf32, #tpu.memory_space<hbm>> -> memref<80x128xf32, #tpu.memory_space<hbm>>
        %dma_wait3A_342 = arith.constant 0 : i32
        %dma_wait3A_343 = tpu.memref_slice %arg6[%add3A_212, %dma_wait3A_342] : memref<320000x128xf32, #tpu.memory_space<hbm>> -> memref<80x128xf32, #tpu.memory_space<hbm>>
        %dma_wait3A_344 = arith.constant 0 : i32
        %dma_wait3A_345 = arith.constant 0 : i32
        %dma_wait3A_346 = tpu.memref_slice %arg12[%run_scoped3A_213, %dma_wait3A_344, %dma_wait3A_345] : memref<2x80x128xf32, #tpu.memory_space<vmem>> -> memref<1x80x128xf32, #tpu.memory_space<vmem>>
        %dma_wait3A_347 = tpu.memref_squeeze %dma_wait3A_346 : memref<1x80x128xf32, #tpu.memory_space<vmem>> -> memref<80x128xf32, #tpu.memory_space<vmem>>
        tpu.wait_dma2 semaphore(%run_scoped3A_323 : memref<!tpu.dma_semaphore, #tpu.memory_space<semaphore_mem>>) src(%dma_wait3A_347 : memref<80x128xf32, #tpu.memory_space<vmem>>) dst(%dma_wait3A_343 : memref<80x128xf32, #tpu.memory_space<hbm>>)
        tpu.yield
      }) : () -> ()
      %mul3A_214 = arith.constant 2 : i32
      %mul3A_215 = arith.muli %mul3A_214, %scan3A_106 : i32
      %add3A_216 = arith.constant 2 : i32
      %add3A_217 = arith.addi %mul3A_215, %add3A_216 : i32
      %mul3A_218 = arith.constant 80 : i32
      %mul3A_219 = arith.muli %add3A_217, %mul3A_218 : i32
      %dma_start3A_220 = arith.constant 0 : i32
      %dma_start3A_221 = arith.constant 0 : i32
      %dma_start3A_222 = arith.constant 0 : i32
      %dma_start3A_223 = arith.constant 0 : i32
      %dma_start3A_224 = tpu.memref_slice %arg9[%dma_start3A_220, %dma_start3A_221, %dma_start3A_222, %dma_start3A_223] : memref<2x80x1x128xf32, #tpu.memory_space<vmem>> -> memref<1x80x1x128xf32, #tpu.memory_space<vmem>>
      %dma_start3A_225 = tpu.memref_squeeze %dma_start3A_224 : memref<1x80x1x128xf32, #tpu.memory_space<vmem>> -> memref<80x1x128xf32, #tpu.memory_space<vmem>>
      %dma_start3A_226 = tpu.memref_slice %arg7[%mul3A_219] : memref<10000xi32, #tpu.memory_space<vmem>> -> memref<80xi32, #tpu.memory_space<vmem>>
      %dma_start3A_227 = arith.constant 0 : i32
      %dma_start3A_228 = arith.constant 0 : i32
      %dma_start3A_229 = arith.constant 0 : i32
      %dma_start3A_230 = tpu.memref_slice %arg2[%dma_start3A_227, %dma_start3A_228, %dma_start3A_229] : memref<20000x1x128xf32, #tpu.memory_space<hbm>> -> memref<20000x1x128xf32, #tpu.memory_space<hbm>>
      tpu.enqueue_indirect_dma source(%dma_start3A_230 : memref<20000x1x128xf32, #tpu.memory_space<hbm>>) target(%dma_start3A_225 : memref<80x1x128xf32, #tpu.memory_space<vmem>>) offsets(%dma_start3A_226 : memref<80xi32, #tpu.memory_space<vmem>>) semaphore(%arg13 : memref<!tpu.dma_semaphore, #tpu.memory_space<semaphore_mem>>)
      %dma_start3A_231 = arith.constant 0 : i32
      %dma_start3A_232 = arith.constant 0 : i32
      %dma_start3A_233 = arith.constant 0 : i32
      %dma_start3A_234 = arith.constant 0 : i32
      %dma_start3A_235 = tpu.memref_slice %arg10[%dma_start3A_231, %dma_start3A_232, %dma_start3A_233, %dma_start3A_234] : memref<2x80x1x128xf32, #tpu.memory_space<vmem>> -> memref<1x80x1x128xf32, #tpu.memory_space<vmem>>
      %dma_start3A_236 = tpu.memref_squeeze %dma_start3A_235 : memref<1x80x1x128xf32, #tpu.memory_space<vmem>> -> memref<80x1x128xf32, #tpu.memory_space<vmem>>
      %dma_start3A_237 = tpu.memref_slice %arg8[%mul3A_219] : memref<10000xi32, #tpu.memory_space<vmem>> -> memref<80xi32, #tpu.memory_space<vmem>>
      %dma_start3A_238 = arith.constant 0 : i32
      %dma_start3A_239 = arith.constant 0 : i32
      %dma_start3A_240 = arith.constant 0 : i32
      %dma_start3A_241 = tpu.memref_slice %arg2[%dma_start3A_238, %dma_start3A_239, %dma_start3A_240] : memref<20000x1x128xf32, #tpu.memory_space<hbm>> -> memref<20000x1x128xf32, #tpu.memory_space<hbm>>
      tpu.enqueue_indirect_dma source(%dma_start3A_241 : memref<20000x1x128xf32, #tpu.memory_space<hbm>>) target(%dma_start3A_236 : memref<80x1x128xf32, #tpu.memory_space<vmem>>) offsets(%dma_start3A_237 : memref<80xi32, #tpu.memory_space<vmem>>) semaphore(%arg13 : memref<!tpu.dma_semaphore, #tpu.memory_space<semaphore_mem>>)
      %add3A_242 = arith.addi %mul3A_2, %mul3A_219 : i32
      %dma_start3A_243 = arith.constant 0 : i32
      %dma_start3A_244 = arith.constant 0 : i32
      %dma_start3A_245 = arith.constant 0 : i32
      %dma_start3A_246 = tpu.memref_slice %arg11[%dma_start3A_243, %dma_start3A_244, %dma_start3A_245] : memref<2x80x128xf32, #tpu.memory_space<vmem>> -> memref<1x80x128xf32, #tpu.memory_space<vmem>>
      %dma_start3A_247 = tpu.memref_squeeze %dma_start3A_246 : memref<1x80x128xf32, #tpu.memory_space<vmem>> -> memref<80x128xf32, #tpu.memory_space<vmem>>
      %dma_start3A_248 = arith.constant 0 : i32
      %dma_start3A_249 = tpu.memref_slice %arg5[%add3A_242, %dma_start3A_248] : memref<320000x128xf32, #tpu.memory_space<hbm>> -> memref<80x128xf32, #tpu.memory_space<hbm>>
      %dma_start3A_250 = arith.constant 0 : i32
      %dma_start3A_251 = arith.constant 0 : i32
      %dma_start3A_252 = tpu.memref_slice %arg11[%dma_start3A_243, %dma_start3A_250, %dma_start3A_251] : memref<2x80x128xf32, #tpu.memory_space<vmem>> -> memref<1x80x128xf32, #tpu.memory_space<vmem>>
      %dma_start3A_253 = tpu.memref_squeeze %dma_start3A_252 : memref<1x80x128xf32, #tpu.memory_space<vmem>> -> memref<80x128xf32, #tpu.memory_space<vmem>>
      %dma_start3A_254 = arith.constant 0 : i32
      %dma_start3A_255 = tpu.memref_slice %arg5[%add3A_242, %dma_start3A_254] : memref<320000x128xf32, #tpu.memory_space<hbm>> -> memref<80x128xf32, #tpu.memory_space<hbm>>
      tpu.enqueue_dma source(%dma_start3A_255 : memref<80x128xf32, #tpu.memory_space<hbm>>) target(%dma_start3A_253 : memref<80x128xf32, #tpu.memory_space<vmem>>) target_semaphore(%arg13 : memref<!tpu.dma_semaphore, #tpu.memory_space<semaphore_mem>>)
      %dma_wait3A_256 = arith.constant 1 : i32
      %dma_wait3A_257 = arith.constant 0 : i32
      %dma_wait3A_258 = arith.constant 0 : i32
      %dma_wait3A_259 = arith.constant 0 : i32
      %dma_wait3A_260 = tpu.memref_slice %arg9[%dma_wait3A_256, %dma_wait3A_257, %dma_wait3A_258, %dma_wait3A_259] : memref<2x80x1x128xf32, #tpu.memory_space<vmem>> -> memref<1x80x1x128xf32, #tpu.memory_space<vmem>>
      %dma_wait3A_261 = tpu.memref_squeeze %dma_wait3A_260 : memref<1x80x1x128xf32, #tpu.memory_space<vmem>> -> memref<80x1x128xf32, #tpu.memory_space<vmem>>
      %dma_wait3A_262 = arith.constant 0 : i32
      %dma_wait3A_263 = arith.constant 0 : i32
      %dma_wait3A_264 = arith.constant 0 : i32
      %dma_wait3A_265 = tpu.memref_slice %arg2[%dma_wait3A_262, %dma_wait3A_263, %dma_wait3A_264] : memref<20000x1x128xf32, #tpu.memory_space<hbm>> -> memref<80x1x128xf32, #tpu.memory_space<hbm>>
      %dma_wait3A_266 = arith.constant 0 : i32
      %dma_wait3A_267 = arith.constant 0 : i32
      %dma_wait3A_268 = arith.constant 0 : i32
      %dma_wait3A_269 = tpu.memref_slice %arg9[%dma_wait3A_256, %dma_wait3A_266, %dma_wait3A_267, %dma_wait3A_268] : memref<2x80x1x128xf32, #tpu.memory_space<vmem>> -> memref<1x80x1x128xf32, #tpu.memory_space<vmem>>
      %dma_wait3A_270 = tpu.memref_squeeze %dma_wait3A_269 : memref<1x80x1x128xf32, #tpu.memory_space<vmem>> -> memref<80x1x128xf32, #tpu.memory_space<vmem>>
      %dma_wait3A_271 = arith.constant 0 : i32
      %dma_wait3A_272 = arith.constant 0 : i32
      %dma_wait3A_273 = arith.constant 0 : i32
      %dma_wait3A_274 = tpu.memref_slice %arg2[%dma_wait3A_271, %dma_wait3A_272, %dma_wait3A_273] : memref<20000x1x128xf32, #tpu.memory_space<hbm>> -> memref<80x1x128xf32, #tpu.memory_space<hbm>>
      tpu.wait_dma2 semaphore(%arg14 : memref<!tpu.dma_semaphore, #tpu.memory_space<semaphore_mem>>) src(%dma_wait3A_274 : memref<80x1x128xf32, #tpu.memory_space<hbm>>) dst(%dma_wait3A_270 : memref<80x1x128xf32, #tpu.memory_space<vmem>>)
      %dma_wait3A_275 = arith.constant 1 : i32
      %dma_wait3A_276 = arith.constant 0 : i32
      %dma_wait3A_277 = arith.constant 0 : i32
      %dma_wait3A_278 = arith.constant 0 : i32
      %dma_wait3A_279 = tpu.memref_slice %arg10[%dma_wait3A_275, %dma_wait3A_276, %dma_wait3A_277, %dma_wait3A_278] : memref<2x80x1x128xf32, #tpu.memory_space<vmem>> -> memref<1x80x1x128xf32, #tpu.memory_space<vmem>>
      %dma_wait3A_280 = tpu.memref_squeeze %dma_wait3A_279 : memref<1x80x1x128xf32, #tpu.memory_space<vmem>> -> memref<80x1x128xf32, #tpu.memory_space<vmem>>
      %dma_wait3A_281 = arith.constant 0 : i32
      %dma_wait3A_282 = arith.constant 0 : i32
      %dma_wait3A_283 = arith.constant 0 : i32
      %dma_wait3A_284 = tpu.memref_slice %arg2[%dma_wait3A_281, %dma_wait3A_282, %dma_wait3A_283] : memref<20000x1x128xf32, #tpu.memory_space<hbm>> -> memref<80x1x128xf32, #tpu.memory_space<hbm>>
      %dma_wait3A_285 = arith.constant 0 : i32
      %dma_wait3A_286 = arith.constant 0 : i32
      %dma_wait3A_287 = arith.constant 0 : i32
      %dma_wait3A_288 = tpu.memref_slice %arg10[%dma_wait3A_275, %dma_wait3A_285, %dma_wait3A_286, %dma_wait3A_287] : memref<2x80x1x128xf32, #tpu.memory_space<vmem>> -> memref<1x80x1x128xf32, #tpu.memory_space<vmem>>
      %dma_wait3A_289 = tpu.memref_squeeze %dma_wait3A_288 : memref<1x80x1x128xf32, #tpu.memory_space<vmem>> -> memref<80x1x128xf32, #tpu.memory_space<vmem>>
      %dma_wait3A_290 = arith.constant 0 : i32
      %dma_wait3A_291 = arith.constant 0 : i32
      %dma_wait3A_292 = arith.constant 0 : i32
      %dma_wait3A_293 = tpu.memref_slice %arg2[%dma_wait3A_290, %dma_wait3A_291, %dma_wait3A_292] : memref<20000x1x128xf32, #tpu.memory_space<hbm>> -> memref<80x1x128xf32, #tpu.memory_space<hbm>>
      tpu.wait_dma2 semaphore(%arg14 : memref<!tpu.dma_semaphore, #tpu.memory_space<semaphore_mem>>) src(%dma_wait3A_293 : memref<80x1x128xf32, #tpu.memory_space<hbm>>) dst(%dma_wait3A_289 : memref<80x1x128xf32, #tpu.memory_space<vmem>>)
      %dma_wait3A_294 = arith.constant 1 : i32
      %dma_wait3A_295 = arith.constant 0 : i32
      %dma_wait3A_296 = arith.constant 0 : i32
      %dma_wait3A_297 = tpu.memref_slice %arg11[%dma_wait3A_294, %dma_wait3A_295, %dma_wait3A_296] : memref<2x80x128xf32, #tpu.memory_space<vmem>> -> memref<1x80x128xf32, #tpu.memory_space<vmem>>
      %dma_wait3A_298 = tpu.memref_squeeze %dma_wait3A_297 : memref<1x80x128xf32, #tpu.memory_space<vmem>> -> memref<80x128xf32, #tpu.memory_space<vmem>>
      %dma_wait3A_299 = arith.constant 0 : i32
      %dma_wait3A_300 = arith.constant 0 : i32
      %dma_wait3A_301 = tpu.memref_slice %arg5[%dma_wait3A_299, %dma_wait3A_300] : memref<320000x128xf32, #tpu.memory_space<hbm>> -> memref<80x128xf32, #tpu.memory_space<hbm>>
      %dma_wait3A_302 = arith.constant 0 : i32
      %dma_wait3A_303 = arith.constant 0 : i32
      %dma_wait3A_304 = tpu.memref_slice %arg11[%dma_wait3A_294, %dma_wait3A_302, %dma_wait3A_303] : memref<2x80x128xf32, #tpu.memory_space<vmem>> -> memref<1x80x128xf32, #tpu.memory_space<vmem>>
      %dma_wait3A_305 = tpu.memref_squeeze %dma_wait3A_304 : memref<1x80x128xf32, #tpu.memory_space<vmem>> -> memref<80x128xf32, #tpu.memory_space<vmem>>
      %dma_wait3A_306 = arith.constant 0 : i32
      %dma_wait3A_307 = arith.constant 0 : i32
      %dma_wait3A_308 = tpu.memref_slice %arg5[%dma_wait3A_306, %dma_wait3A_307] : memref<320000x128xf32, #tpu.memory_space<hbm>> -> memref<80x128xf32, #tpu.memory_space<hbm>>
      tpu.wait_dma2 semaphore(%arg14 : memref<!tpu.dma_semaphore, #tpu.memory_space<semaphore_mem>>) src(%dma_wait3A_308 : memref<80x128xf32, #tpu.memory_space<hbm>>) dst(%dma_wait3A_305 : memref<80x128xf32, #tpu.memory_space<vmem>>)
      %mul3A_309 = arith.constant 2 : i32
      %mul3A_310 = arith.muli %mul3A_309, %scan3A_106 : i32
      %add3A_311 = arith.constant 1 : i32
      %add3A_312 = arith.addi %mul3A_310, %add3A_311 : i32
      %scan3A_313 = arith.constant 0 : i32
      %scan3A_314 = arith.constant 0 : i32
      %scan3A_315 = arith.constant 80 : i32
      %scan3A_316 = arith.addi %scan3A_314, %scan3A_315 : i32
      %scan3A_317 = arith.constant 1 : i32
      scf.for %scan3A_323 = %scan3A_314 to %scan3A_316 step %scan3A_317  : i32 {
        %get3A = arith.constant 1 : i32
        %get3A_324 = arith.constant 0 : i32
        %get3A_325 = arith.index_cast %get3A : i32 to index
        %get3A_326 = arith.index_cast %scan3A_323 : i32 to index
        %get3A_327 = arith.index_cast %get3A_324 : i32 to index
        %get3A_328 = arith.constant 0 : index
        %get3A_329 = tpu.vector_load %arg9[%get3A_325, %get3A_326, %get3A_327, %get3A_328] {strides = array<i32>} : memref<2x80x1x128xf32, #tpu.memory_space<vmem>>, vector<1x1x1x16xf32>,
        %get3A_330 = vector.shape_cast %get3A_329 : vector<1x1x1x16xf32> to vector<16xf32>
        %get3A_331 = arith.constant 1 : i32
        %get3A_332 = arith.constant 0 : i32
        %get3A_333 = arith.index_cast %get3A_331 : i32 to index
        %get3A_334 = arith.index_cast %scan3A_323 : i32 to index
        %get3A_335 = arith.index_cast %get3A_332 : i32 to index
        %get3A_336 = arith.constant 0 : index
        %get3A_337 = tpu.vector_load %arg10[%get3A_333, %get3A_334, %get3A_335, %get3A_336] {strides = array<i32>} : memref<2x80x1x128xf32, #tpu.memory_space<vmem>>, vector<1x1x1x16xf32>,
        %get3A_338 = vector.shape_cast %get3A_337 : vector<1x1x1x16xf32> to vector<16xf32>
        %add3A_339 = arith.addf %get3A_330, %get3A_338 : vector<16xf32>
        %get3A_340 = arith.constant 1 : i32
        %get3A_341 = arith.index_cast %get3A_340 : i32 to index
        %get3A_342 = arith.index_cast %scan3A_323 : i32 to index
        %get3A_343 = arith.constant 0 : index
        %get3A_344 = tpu.vector_load %arg11[%get3A_341, %get3A_342, %get3A_343] {strides = array<i32>} : memref<2x80x128xf32, #tpu.memory_space<vmem>>, vector<1x1x16xf32>,
        %get3A_345 = vector.shape_cast %get3A_344 : vector<1x1x16xf32> to vector<16xf32>
        %add3A_346 = arith.addf %add3A_339, %get3A_345 : vector<16xf32>
        %swap3A = arith.constant 1 : i32
        %swap3A_347 = arith.index_cast %swap3A : i32 to index
        %swap3A_348 = arith.index_cast %scan3A_323 : i32 to index
        %swap3A_349 = arith.constant 0 : index
        %swap3A_350 = tpu.vector_load %arg12[%swap3A_347, %swap3A_348, %swap3A_349] {strides = array<i32>} : memref<2x80x128xf32, #tpu.memory_space<vmem>>, vector<1x1x16xf32>,
        %swap3A_351 = vector.shape_cast %swap3A_350 : vector<1x1x16xf32> to vector<16xf32>
        %swap3A_352 = vector.shape_cast %add3A_346 : vector<16xf32> to vector<1x1x16xf32>
        tpu.vector_store %arg12[%swap3A_347, %swap3A_348, %swap3A_349], %swap3A_352 {strides = array<i32>} : memref<2x80x128xf32, #tpu.memory_space<vmem>>, vector<1x1x16xf32>,
        %get3A_353 = arith.constant 1 : i32
        %get3A_354 = arith.constant 0 : i32
        %get3A_355 = arith.index_cast %get3A_353 : i32 to index
        %get3A_356 = arith.index_cast %scan3A_323 : i32 to index
        %get3A_357 = arith.index_cast %get3A_354 : i32 to index
        %get3A_358 = arith.constant 16 : index
        %get3A_359 = tpu.vector_load %arg9[%get3A_355, %get3A_356, %get3A_357, %get3A_358] {strides = array<i32>} : memref<2x80x1x128xf32, #tpu.memory_space<vmem>>, vector<1x1x1x16xf32>,
        %get3A_360 = vector.shape_cast %get3A_359 : vector<1x1x1x16xf32> to vector<16xf32>
        %get3A_361 = arith.constant 1 : i32
        %get3A_362 = arith.constant 0 : i32
        %get3A_363 = arith.index_cast %get3A_361 : i32 to index
        %get3A_364 = arith.index_cast %scan3A_323 : i32 to index
        %get3A_365 = arith.index_cast %get3A_362 : i32 to index
        %get3A_366 = arith.constant 16 : index
        %get3A_367 = tpu.vector_load %arg10[%get3A_363, %get3A_364, %get3A_365, %get3A_366] {strides = array<i32>} : memref<2x80x1x128xf32, #tpu.memory_space<vmem>>, vector<1x1x1x16xf32>,
        %get3A_368 = vector.shape_cast %get3A_367 : vector<1x1x1x16xf32> to vector<16xf32>
        %add3A_369 = arith.addf %get3A_360, %get3A_368 : vector<16xf32>
        %get3A_370 = arith.constant 1 : i32
        %get3A_371 = arith.index_cast %get3A_370 : i32 to index
        %get3A_372 = arith.index_cast %scan3A_323 : i32 to index
        %get3A_373 = arith.constant 16 : index
        %get3A_374 = tpu.vector_load %arg11[%get3A_371, %get3A_372, %get3A_373] {strides = array<i32>} : memref<2x80x128xf32, #tpu.memory_space<vmem>>, vector<1x1x16xf32>,
        %get3A_375 = vector.shape_cast %get3A_374 : vector<1x1x16xf32> to vector<16xf32>
        %add3A_376 = arith.addf %add3A_369, %get3A_375 : vector<16xf32>
        %swap3A_377 = arith.constant 1 : i32
        %swap3A_378 = arith.index_cast %swap3A_377 : i32 to index
        %swap3A_379 = arith.index_cast %scan3A_323 : i32 to index
        %swap3A_380 = arith.constant 16 : index
        %swap3A_381 = tpu.vector_load %arg12[%swap3A_378, %swap3A_379, %swap3A_380] {strides = array<i32>} : memref<2x80x128xf32, #tpu.memory_space<vmem>>, vector<1x1x16xf32>,
        %swap3A_382 = vector.shape_cast %swap3A_381 : vector<1x1x16xf32> to vector<16xf32>
        %swap3A_383 = vector.shape_cast %add3A_376 : vector<16xf32> to vector<1x1x16xf32>
        tpu.vector_store %arg12[%swap3A_378, %swap3A_379, %swap3A_380], %swap3A_383 {strides = array<i32>} : memref<2x80x128xf32, #tpu.memory_space<vmem>>, vector<1x1x16xf32>,
        %get3A_384 = arith.constant 1 : i32
        %get3A_385 = arith.constant 0 : i32
        %get3A_386 = arith.index_cast %get3A_384 : i32 to index
        %get3A_387 = arith.index_cast %scan3A_323 : i32 to index
        %get3A_388 = arith.index_cast %get3A_385 : i32 to index
        %get3A_389 = arith.constant 32 : index
        %get3A_390 = tpu.vector_load %arg9[%get3A_386, %get3A_387, %get3A_388, %get3A_389] {strides = array<i32>} : memref<2x80x1x128xf32, #tpu.memory_space<vmem>>, vector<1x1x1x16xf32>,
        %get3A_391 = vector.shape_cast %get3A_390 : vector<1x1x1x16xf32> to vector<16xf32>
        %get3A_392 = arith.constant 1 : i32
        %get3A_393 = arith.constant 0 : i32
        %get3A_394 = arith.index_cast %get3A_392 : i32 to index
        %get3A_395 = arith.index_cast %scan3A_323 : i32 to index
        %get3A_396 = arith.index_cast %get3A_393 : i32 to index
        %get3A_397 = arith.constant 32 : index
        %get3A_398 = tpu.vector_load %arg10[%get3A_394, %get3A_395, %get3A_396, %get3A_397] {strides = array<i32>} : memref<2x80x1x128xf32, #tpu.memory_space<vmem>>, vector<1x1x1x16xf32>,
        %get3A_399 = vector.shape_cast %get3A_398 : vector<1x1x1x16xf32> to vector<16xf32>
        %add3A_400 = arith.addf %get3A_391, %get3A_399 : vector<16xf32>
        %get3A_401 = arith.constant 1 : i32
        %get3A_402 = arith.index_cast %get3A_401 : i32 to index
        %get3A_403 = arith.index_cast %scan3A_323 : i32 to index
        %get3A_404 = arith.constant 32 : index
        %get3A_405 = tpu.vector_load %arg11[%get3A_402, %get3A_403, %get3A_404] {strides = array<i32>} : memref<2x80x128xf32, #tpu.memory_space<vmem>>, vector<1x1x16xf32>,
        %get3A_406 = vector.shape_cast %get3A_405 : vector<1x1x16xf32> to vector<16xf32>
        %add3A_407 = arith.addf %add3A_400, %get3A_406 : vector<16xf32>
        %swap3A_408 = arith.constant 1 : i32
        %swap3A_409 = arith.index_cast %swap3A_408 : i32 to index
        %swap3A_410 = arith.index_cast %scan3A_323 : i32 to index
        %swap3A_411 = arith.constant 32 : index
        %swap3A_412 = tpu.vector_load %arg12[%swap3A_409, %swap3A_410, %swap3A_411] {strides = array<i32>} : memref<2x80x128xf32, #tpu.memory_space<vmem>>, vector<1x1x16xf32>,
        %swap3A_413 = vector.shape_cast %swap3A_412 : vector<1x1x16xf32> to vector<16xf32>
        %swap3A_414 = vector.shape_cast %add3A_407 : vector<16xf32> to vector<1x1x16xf32>
        tpu.vector_store %arg12[%swap3A_409, %swap3A_410, %swap3A_411], %swap3A_414 {strides = array<i32>} : memref<2x80x128xf32, #tpu.memory_space<vmem>>, vector<1x1x16xf32>,
        %get3A_415 = arith.constant 1 : i32
        %get3A_416 = arith.constant 0 : i32
        %get3A_417 = arith.index_cast %get3A_415 : i32 to index
        %get3A_418 = arith.index_cast %scan3A_323 : i32 to index
        %get3A_419 = arith.index_cast %get3A_416 : i32 to index
        %get3A_420 = arith.constant 48 : index
        %get3A_421 = tpu.vector_load %arg9[%get3A_417, %get3A_418, %get3A_419, %get3A_420] {strides = array<i32>} : memref<2x80x1x128xf32, #tpu.memory_space<vmem>>, vector<1x1x1x16xf32>,
        %get3A_422 = vector.shape_cast %get3A_421 : vector<1x1x1x16xf32> to vector<16xf32>
        %get3A_423 = arith.constant 1 : i32
        %get3A_424 = arith.constant 0 : i32
        %get3A_425 = arith.index_cast %get3A_423 : i32 to index
        %get3A_426 = arith.index_cast %scan3A_323 : i32 to index
        %get3A_427 = arith.index_cast %get3A_424 : i32 to index
        %get3A_428 = arith.constant 48 : index
        %get3A_429 = tpu.vector_load %arg10[%get3A_425, %get3A_426, %get3A_427, %get3A_428] {strides = array<i32>} : memref<2x80x1x128xf32, #tpu.memory_space<vmem>>, vector<1x1x1x16xf32>,
        %get3A_430 = vector.shape_cast %get3A_429 : vector<1x1x1x16xf32> to vector<16xf32>
        %add3A_431 = arith.addf %get3A_422, %get3A_430 : vector<16xf32>
        %get3A_432 = arith.constant 1 : i32
        %get3A_433 = arith.index_cast %get3A_432 : i32 to index
        %get3A_434 = arith.index_cast %scan3A_323 : i32 to index
        %get3A_435 = arith.constant 48 : index
        %get3A_436 = tpu.vector_load %arg11[%get3A_433, %get3A_434, %get3A_435] {strides = array<i32>} : memref<2x80x128xf32, #tpu.memory_space<vmem>>, vector<1x1x16xf32>,
        %get3A_437 = vector.shape_cast %get3A_436 : vector<1x1x16xf32> to vector<16xf32>
        %add3A_438 = arith.addf %add3A_431, %get3A_437 : vector<16xf32>
        %swap3A_439 = arith.constant 1 : i32
        %swap3A_440 = arith.index_cast %swap3A_439 : i32 to index
        %swap3A_441 = arith.index_cast %scan3A_323 : i32 to index
        %swap3A_442 = arith.constant 48 : index
        %swap3A_443 = tpu.vector_load %arg12[%swap3A_440, %swap3A_441, %swap3A_442] {strides = array<i32>} : memref<2x80x128xf32, #tpu.memory_space<vmem>>, vector<1x1x16xf32>,
        %swap3A_444 = vector.shape_cast %swap3A_443 : vector<1x1x16xf32> to vector<16xf32>
        %swap3A_445 = vector.shape_cast %add3A_438 : vector<16xf32> to vector<1x1x16xf32>
        tpu.vector_store %arg12[%swap3A_440, %swap3A_441, %swap3A_442], %swap3A_445 {strides = array<i32>} : memref<2x80x128xf32, #tpu.memory_space<vmem>>, vector<1x1x16xf32>,
        %get3A_446 = arith.constant 1 : i32
        %get3A_447 = arith.constant 0 : i32
        %get3A_448 = arith.index_cast %get3A_446 : i32 to index
        %get3A_449 = arith.index_cast %scan3A_323 : i32 to index
        %get3A_450 = arith.index_cast %get3A_447 : i32 to index
        %get3A_451 = arith.constant 64 : index
        %get3A_452 = tpu.vector_load %arg9[%get3A_448, %get3A_449, %get3A_450, %get3A_451] {strides = array<i32>} : memref<2x80x1x128xf32, #tpu.memory_space<vmem>>, vector<1x1x1x16xf32>,
        %get3A_453 = vector.shape_cast %get3A_452 : vector<1x1x1x16xf32> to vector<16xf32>
        %get3A_454 = arith.constant 1 : i32
        %get3A_455 = arith.constant 0 : i32
        %get3A_456 = arith.index_cast %get3A_454 : i32 to index
        %get3A_457 = arith.index_cast %scan3A_323 : i32 to index
        %get3A_458 = arith.index_cast %get3A_455 : i32 to index
        %get3A_459 = arith.constant 64 : index
        %get3A_460 = tpu.vector_load %arg10[%get3A_456, %get3A_457, %get3A_458, %get3A_459] {strides = array<i32>} : memref<2x80x1x128xf32, #tpu.memory_space<vmem>>, vector<1x1x1x16xf32>,
        %get3A_461 = vector.shape_cast %get3A_460 : vector<1x1x1x16xf32> to vector<16xf32>
        %add3A_462 = arith.addf %get3A_453, %get3A_461 : vector<16xf32>
        %get3A_463 = arith.constant 1 : i32
        %get3A_464 = arith.index_cast %get3A_463 : i32 to index
        %get3A_465 = arith.index_cast %scan3A_323 : i32 to index
        %get3A_466 = arith.constant 64 : index
        %get3A_467 = tpu.vector_load %arg11[%get3A_464, %get3A_465, %get3A_466] {strides = array<i32>} : memref<2x80x128xf32, #tpu.memory_space<vmem>>, vector<1x1x16xf32>,
        %get3A_468 = vector.shape_cast %get3A_467 : vector<1x1x16xf32> to vector<16xf32>
        %add3A_469 = arith.addf %add3A_462, %get3A_468 : vector<16xf32>
        %swap3A_470 = arith.constant 1 : i32
        %swap3A_471 = arith.index_cast %swap3A_470 : i32 to index
        %swap3A_472 = arith.index_cast %scan3A_323 : i32 to index
        %swap3A_473 = arith.constant 64 : index
        %swap3A_474 = tpu.vector_load %arg12[%swap3A_471, %swap3A_472, %swap3A_473] {strides = array<i32>} : memref<2x80x128xf32, #tpu.memory_space<vmem>>, vector<1x1x16xf32>,
        %swap3A_475 = vector.shape_cast %swap3A_474 : vector<1x1x16xf32> to vector<16xf32>
        %swap3A_476 = vector.shape_cast %add3A_469 : vector<16xf32> to vector<1x1x16xf32>
        tpu.vector_store %arg12[%swap3A_471, %swap3A_472, %swap3A_473], %swap3A_476 {strides = array<i32>} : memref<2x80x128xf32, #tpu.memory_space<vmem>>, vector<1x1x16xf32>,
        %get3A_477 = arith.constant 1 : i32
        %get3A_478 = arith.constant 0 : i32
        %get3A_479 = arith.index_cast %get3A_477 : i32 to index
        %get3A_480 = arith.index_cast %scan3A_323 : i32 to index
        %get3A_481 = arith.index_cast %get3A_478 : i32 to index
        %get3A_482 = arith.constant 80 : index
        %get3A_483 = tpu.vector_load %arg9[%get3A_479, %get3A_480, %get3A_481, %get3A_482] {strides = array<i32>} : memref<2x80x1x128xf32, #tpu.memory_space<vmem>>, vector<1x1x1x16xf32>,
        %get3A_484 = vector.shape_cast %get3A_483 : vector<1x1x1x16xf32> to vector<16xf32>
        %get3A_485 = arith.constant 1 : i32
        %get3A_486 = arith.constant 0 : i32
        %get3A_487 = arith.index_cast %get3A_485 : i32 to index
        %get3A_488 = arith.index_cast %scan3A_323 : i32 to index
        %get3A_489 = arith.index_cast %get3A_486 : i32 to index
        %get3A_490 = arith.constant 80 : index
        %get3A_491 = tpu.vector_load %arg10[%get3A_487, %get3A_488, %get3A_489, %get3A_490] {strides = array<i32>} : memref<2x80x1x128xf32, #tpu.memory_space<vmem>>, vector<1x1x1x16xf32>,
        %get3A_492 = vector.shape_cast %get3A_491 : vector<1x1x1x16xf32> to vector<16xf32>
        %add3A_493 = arith.addf %get3A_484, %get3A_492 : vector<16xf32>
        %get3A_494 = arith.constant 1 : i32
        %get3A_495 = arith.index_cast %get3A_494 : i32 to index
        %get3A_496 = arith.index_cast %scan3A_323 : i32 to index
        %get3A_497 = arith.constant 80 : index
        %get3A_498 = tpu.vector_load %arg11[%get3A_495, %get3A_496, %get3A_497] {strides = array<i32>} : memref<2x80x128xf32, #tpu.memory_space<vmem>>, vector<1x1x16xf32>,
        %get3A_499 = vector.shape_cast %get3A_498 : vector<1x1x16xf32> to vector<16xf32>
        %add3A_500 = arith.addf %add3A_493, %get3A_499 : vector<16xf32>
        %swap3A_501 = arith.constant 1 : i32
        %swap3A_502 = arith.index_cast %swap3A_501 : i32 to index
        %swap3A_503 = arith.index_cast %scan3A_323 : i32 to index
        %swap3A_504 = arith.constant 80 : index
        %swap3A_505 = tpu.vector_load %arg12[%swap3A_502, %swap3A_503, %swap3A_504] {strides = array<i32>} : memref<2x80x128xf32, #tpu.memory_space<vmem>>, vector<1x1x16xf32>,
        %swap3A_506 = vector.shape_cast %swap3A_505 : vector<1x1x16xf32> to vector<16xf32>
        %swap3A_507 = vector.shape_cast %add3A_500 : vector<16xf32> to vector<1x1x16xf32>
        tpu.vector_store %arg12[%swap3A_502, %swap3A_503, %swap3A_504], %swap3A_507 {strides = array<i32>} : memref<2x80x128xf32, #tpu.memory_space<vmem>>, vector<1x1x16xf32>,
        %get3A_508 = arith.constant 1 : i32
        %get3A_509 = arith.constant 0 : i32
        %get3A_510 = arith.index_cast %get3A_508 : i32 to index
        %get3A_511 = arith.index_cast %scan3A_323 : i32 to index
        %get3A_512 = arith.index_cast %get3A_509 : i32 to index
        %get3A_513 = arith.constant 96 : index
        %get3A_514 = tpu.vector_load %arg9[%get3A_510, %get3A_511, %get3A_512, %get3A_513] {strides = array<i32>} : memref<2x80x1x128xf32, #tpu.memory_space<vmem>>, vector<1x1x1x16xf32>,
        %get3A_515 = vector.shape_cast %get3A_514 : vector<1x1x1x16xf32> to vector<16xf32>
        %get3A_516 = arith.constant 1 : i32
        %get3A_517 = arith.constant 0 : i32
        %get3A_518 = arith.index_cast %get3A_516 : i32 to index
        %get3A_519 = arith.index_cast %scan3A_323 : i32 to index
        %get3A_520 = arith.index_cast %get3A_517 : i32 to index
        %get3A_521 = arith.constant 96 : index
        %get3A_522 = tpu.vector_load %arg10[%get3A_518, %get3A_519, %get3A_520, %get3A_521] {strides = array<i32>} : memref<2x80x1x128xf32, #tpu.memory_space<vmem>>, vector<1x1x1x16xf32>,
        %get3A_523 = vector.shape_cast %get3A_522 : vector<1x1x1x16xf32> to vector<16xf32>
        %add3A_524 = arith.addf %get3A_515, %get3A_523 : vector<16xf32>
        %get3A_525 = arith.constant 1 : i32
        %get3A_526 = arith.index_cast %get3A_525 : i32 to index
        %get3A_527 = arith.index_cast %scan3A_323 : i32 to index
        %get3A_528 = arith.constant 96 : index
        %get3A_529 = tpu.vector_load %arg11[%get3A_526, %get3A_527, %get3A_528] {strides = array<i32>} : memref<2x80x128xf32, #tpu.memory_space<vmem>>, vector<1x1x16xf32>,
        %get3A_530 = vector.shape_cast %get3A_529 : vector<1x1x16xf32> to vector<16xf32>
        %add3A_531 = arith.addf %add3A_524, %get3A_530 : vector<16xf32>
        %swap3A_532 = arith.constant 1 : i32
        %swap3A_533 = arith.index_cast %swap3A_532 : i32 to index
        %swap3A_534 = arith.index_cast %scan3A_323 : i32 to index
        %swap3A_535 = arith.constant 96 : index
        %swap3A_536 = tpu.vector_load %arg12[%swap3A_533, %swap3A_534, %swap3A_535] {strides = array<i32>} : memref<2x80x128xf32, #tpu.memory_space<vmem>>, vector<1x1x16xf32>,
        %swap3A_537 = vector.shape_cast %swap3A_536 : vector<1x1x16xf32> to vector<16xf32>
        %swap3A_538 = vector.shape_cast %add3A_531 : vector<16xf32> to vector<1x1x16xf32>
        tpu.vector_store %arg12[%swap3A_533, %swap3A_534, %swap3A_535], %swap3A_538 {strides = array<i32>} : memref<2x80x128xf32, #tpu.memory_space<vmem>>, vector<1x1x16xf32>,
        %get3A_539 = arith.constant 1 : i32
        %get3A_540 = arith.constant 0 : i32
        %get3A_541 = arith.index_cast %get3A_539 : i32 to index
        %get3A_542 = arith.index_cast %scan3A_323 : i32 to index
        %get3A_543 = arith.index_cast %get3A_540 : i32 to index
        %get3A_544 = arith.constant 112 : index
        %get3A_545 = tpu.vector_load %arg9[%get3A_541, %get3A_542, %get3A_543, %get3A_544] {strides = array<i32>} : memref<2x80x1x128xf32, #tpu.memory_space<vmem>>, vector<1x1x1x16xf32>,
        %get3A_546 = vector.shape_cast %get3A_545 : vector<1x1x1x16xf32> to vector<16xf32>
        %get3A_547 = arith.constant 1 : i32
        %get3A_548 = arith.constant 0 : i32
        %get3A_549 = arith.index_cast %get3A_547 : i32 to index
        %get3A_550 = arith.index_cast %scan3A_323 : i32 to index
        %get3A_551 = arith.index_cast %get3A_548 : i32 to index
        %get3A_552 = arith.constant 112 : index
        %get3A_553 = tpu.vector_load %arg10[%get3A_549, %get3A_550, %get3A_551, %get3A_552] {strides = array<i32>} : memref<2x80x1x128xf32, #tpu.memory_space<vmem>>, vector<1x1x1x16xf32>,
        %get3A_554 = vector.shape_cast %get3A_553 : vector<1x1x1x16xf32> to vector<16xf32>
        %add3A_555 = arith.addf %get3A_546, %get3A_554 : vector<16xf32>
        %get3A_556 = arith.constant 1 : i32
        %get3A_557 = arith.index_cast %get3A_556 : i32 to index
        %get3A_558 = arith.index_cast %scan3A_323 : i32 to index
        %get3A_559 = arith.constant 112 : index
        %get3A_560 = tpu.vector_load %arg11[%get3A_557, %get3A_558, %get3A_559] {strides = array<i32>} : memref<2x80x128xf32, #tpu.memory_space<vmem>>, vector<1x1x16xf32>,
        %get3A_561 = vector.shape_cast %get3A_560 : vector<1x1x16xf32> to vector<16xf32>
        %add3A_562 = arith.addf %add3A_555, %get3A_561 : vector<16xf32>
        %swap3A_563 = arith.constant 1 : i32
        %swap3A_564 = arith.index_cast %swap3A_563 : i32 to index
        %swap3A_565 = arith.index_cast %scan3A_323 : i32 to index
        %swap3A_566 = arith.constant 112 : index
        %swap3A_567 = tpu.vector_load %arg12[%swap3A_564, %swap3A_565, %swap3A_566] {strides = array<i32>} : memref<2x80x128xf32, #tpu.memory_space<vmem>>, vector<1x1x16xf32>,
        %swap3A_568 = vector.shape_cast %swap3A_567 : vector<1x1x16xf32> to vector<16xf32>
        %swap3A_569 = vector.shape_cast %add3A_562 : vector<16xf32> to vector<1x1x16xf32>
        tpu.vector_store %arg12[%swap3A_564, %swap3A_565, %swap3A_566], %swap3A_569 {strides = array<i32>} : memref<2x80x128xf32, #tpu.memory_space<vmem>>, vector<1x1x16xf32>,
      }
      %scan3A_318 = arith.constant 80 : i32
      %mul3A_319 = arith.constant 80 : i32
      %mul3A_320 = arith.muli %add3A_312, %mul3A_319 : i32
      %add3A_321 = arith.addi %mul3A_2, %mul3A_320 : i32
      %run_scoped3A_322 = arith.constant 1 : i32
      "tpu.region"() ({
        %run_scoped3A_323 = tpu.sem_alloc : memref<!tpu.dma_semaphore, #tpu.memory_space<semaphore_mem>>
        %dma_start3A_324 = arith.constant 0 : i32
        %dma_start3A_325 = arith.constant 0 : i32
        %dma_start3A_326 = tpu.memref_slice %arg12[%run_scoped3A_322, %dma_start3A_324, %dma_start3A_325] : memref<2x80x128xf32, #tpu.memory_space<vmem>> -> memref<1x80x128xf32, #tpu.memory_space<vmem>>
        %dma_start3A_327 = tpu.memref_squeeze %dma_start3A_326 : memref<1x80x128xf32, #tpu.memory_space<vmem>> -> memref<80x128xf32, #tpu.memory_space<vmem>>
        %dma_start3A_328 = arith.constant 0 : i32
        %dma_start3A_329 = tpu.memref_slice %arg6[%add3A_321, %dma_start3A_328] : memref<320000x128xf32, #tpu.memory_space<hbm>> -> memref<80x128xf32, #tpu.memory_space<hbm>>
        %dma_start3A_330 = arith.constant 0 : i32
        %dma_start3A_331 = tpu.memref_slice %arg6[%add3A_321, %dma_start3A_330] : memref<320000x128xf32, #tpu.memory_space<hbm>> -> memref<80x128xf32, #tpu.memory_space<hbm>>
        %dma_start3A_332 = arith.constant 0 : i32
        %dma_start3A_333 = arith.constant 0 : i32
        %dma_start3A_334 = tpu.memref_slice %arg12[%run_scoped3A_322, %dma_start3A_332, %dma_start3A_333] : memref<2x80x128xf32, #tpu.memory_space<vmem>> -> memref<1x80x128xf32, #tpu.memory_space<vmem>>
        %dma_start3A_335 = tpu.memref_squeeze %dma_start3A_334 : memref<1x80x128xf32, #tpu.memory_space<vmem>> -> memref<80x128xf32, #tpu.memory_space<vmem>>
        tpu.enqueue_dma source(%dma_start3A_335 : memref<80x128xf32, #tpu.memory_space<vmem>>) target(%dma_start3A_331 : memref<80x128xf32, #tpu.memory_space<hbm>>) target_semaphore(%run_scoped3A_323 : memref<!tpu.dma_semaphore, #tpu.memory_space<semaphore_mem>>)
        %dma_wait3A_336 = arith.constant 0 : i32
        %dma_wait3A_337 = arith.constant 0 : i32
        %dma_wait3A_338 = tpu.memref_slice %arg12[%run_scoped3A_322, %dma_wait3A_336, %dma_wait3A_337] : memref<2x80x128xf32, #tpu.memory_space<vmem>> -> memref<1x80x128xf32, #tpu.memory_space<vmem>>
        %dma_wait3A_339 = tpu.memref_squeeze %dma_wait3A_338 : memref<1x80x128xf32, #tpu.memory_space<vmem>> -> memref<80x128xf32, #tpu.memory_space<vmem>>
        %dma_wait3A_340 = arith.constant 0 : i32
        %dma_wait3A_341 = tpu.memref_slice %arg6[%add3A_321, %dma_wait3A_340] : memref<320000x128xf32, #tpu.memory_space<hbm>> -> memref<80x128xf32, #tpu.memory_space<hbm>>
        %dma_wait3A_342 = arith.constant 0 : i32
        %dma_wait3A_343 = tpu.memref_slice %arg6[%add3A_321, %dma_wait3A_342] : memref<320000x128xf32, #tpu.memory_space<hbm>> -> memref<80x128xf32, #tpu.memory_space<hbm>>
        %dma_wait3A_344 = arith.constant 0 : i32
        %dma_wait3A_345 = arith.constant 0 : i32
        %dma_wait3A_346 = tpu.memref_slice %arg12[%run_scoped3A_322, %dma_wait3A_344, %dma_wait3A_345] : memref<2x80x128xf32, #tpu.memory_space<vmem>> -> memref<1x80x128xf32, #tpu.memory_space<vmem>>
        %dma_wait3A_347 = tpu.memref_squeeze %dma_wait3A_346 : memref<1x80x128xf32, #tpu.memory_space<vmem>> -> memref<80x128xf32, #tpu.memory_space<vmem>>
        tpu.wait_dma2 semaphore(%run_scoped3A_323 : memref<!tpu.dma_semaphore, #tpu.memory_space<semaphore_mem>>) src(%dma_wait3A_347 : memref<80x128xf32, #tpu.memory_space<vmem>>) dst(%dma_wait3A_343 : memref<80x128xf32, #tpu.memory_space<hbm>>)
        tpu.yield
      }) : () -> ()
    }
    %scan3A_45 = arith.constant 62 : i32
    %dma_wait3A = arith.constant 0 : i32
    %dma_wait3A_46 = arith.constant 0 : i32
    %dma_wait3A_47 = arith.constant 0 : i32
    %dma_wait3A_48 = arith.constant 0 : i32
    %dma_wait3A_49 = tpu.memref_slice %arg9[%dma_wait3A, %dma_wait3A_46, %dma_wait3A_47, %dma_wait3A_48] : memref<2x80x1x128xf32, #tpu.memory_space<vmem>> -> memref<1x80x1x128xf32, #tpu.memory_space<vmem>>
    %dma_wait3A_50 = tpu.memref_squeeze %dma_wait3A_49 : memref<1x80x1x128xf32, #tpu.memory_space<vmem>> -> memref<80x1x128xf32, #tpu.memory_space<vmem>>
    %dma_wait3A_51 = arith.constant 0 : i32
    %dma_wait3A_52 = arith.constant 0 : i32
    %dma_wait3A_53 = arith.constant 0 : i32
    %dma_wait3A_54 = tpu.memref_slice %arg2[%dma_wait3A_51, %dma_wait3A_52, %dma_wait3A_53] : memref<20000x1x128xf32, #tpu.memory_space<hbm>> -> memref<80x1x128xf32, #tpu.memory_space<hbm>>
    %dma_wait3A_55 = arith.constant 0 : i32
    %dma_wait3A_56 = arith.constant 0 : i32
    %dma_wait3A_57 = arith.constant 0 : i32
    %dma_wait3A_58 = tpu.memref_slice %arg9[%dma_wait3A, %dma_wait3A_55, %dma_wait3A_56, %dma_wait3A_57] : memref<2x80x1x128xf32, #tpu.memory_space<vmem>> -> memref<1x80x1x128xf32, #tpu.memory_space<vmem>>
    %dma_wait3A_59 = tpu.memref_squeeze %dma_wait3A_58 : memref<1x80x1x128xf32, #tpu.memory_space<vmem>> -> memref<80x1x128xf32, #tpu.memory_space<vmem>>
    %dma_wait3A_60 = arith.constant 0 : i32
    %dma_wait3A_61 = arith.constant 0 : i32
    %dma_wait3A_62 = arith.constant 0 : i32
    %dma_wait3A_63 = tpu.memref_slice %arg2[%dma_wait3A_60, %dma_wait3A_61, %dma_wait3A_62] : memref<20000x1x128xf32, #tpu.memory_space<hbm>> -> memref<80x1x128xf32, #tpu.memory_space<hbm>>
    tpu.wait_dma2 semaphore(%arg13 : memref<!tpu.dma_semaphore, #tpu.memory_space<semaphore_mem>>) src(%dma_wait3A_63 : memref<80x1x128xf32, #tpu.memory_space<hbm>>) dst(%dma_wait3A_59 : memref<80x1x128xf32, #tpu.memory_space<vmem>>)
    %dma_wait3A_64 = arith.constant 0 : i32
    %dma_wait3A_65 = arith.constant 0 : i32
    %dma_wait3A_66 = arith.constant 0 : i32
    %dma_wait3A_67 = arith.constant 0 : i32
    %dma_wait3A_68 = tpu.memref_slice %arg10[%dma_wait3A_64, %dma_wait3A_65, %dma_wait3A_66, %dma_wait3A_67] : memref<2x80x1x128xf32, #tpu.memory_space<vmem>> -> memref<1x80x1x128xf32, #tpu.memory_space<vmem>>
    %dma_wait3A_69 = tpu.memref_squeeze %dma_wait3A_68 : memref<1x80x1x128xf32, #tpu.memory_space<vmem>> -> memref<80x1x128xf32, #tpu.memory_space<vmem>>
    %dma_wait3A_70 = arith.constant 0 : i32
    %dma_wait3A_71 = arith.constant 0 : i32
    %dma_wait3A_72 = arith.constant 0 : i32
    %dma_wait3A_73 = tpu.memref_slice %arg2[%dma_wait3A_70, %dma_wait3A_71, %dma_wait3A_72] : memref<20000x1x128xf32, #tpu.memory_space<hbm>> -> memref<80x1x128xf32, #tpu.memory_space<hbm>>
    %dma_wait3A_74 = arith.constant 0 : i32
    %dma_wait3A_75 = arith.constant 0 : i32
    %dma_wait3A_76 = arith.constant 0 : i32
    %dma_wait3A_77 = tpu.memref_slice %arg10[%dma_wait3A_64, %dma_wait3A_74, %dma_wait3A_75, %dma_wait3A_76] : memref<2x80x1x128xf32, #tpu.memory_space<vmem>> -> memref<1x80x1x128xf32, #tpu.memory_space<vmem>>
    %dma_wait3A_78 = tpu.memref_squeeze %dma_wait3A_77 : memref<1x80x1x128xf32, #tpu.memory_space<vmem>> -> memref<80x1x128xf32, #tpu.memory_space<vmem>>
    %dma_wait3A_79 = arith.constant 0 : i32
    %dma_wait3A_80 = arith.constant 0 : i32
    %dma_wait3A_81 = arith.constant 0 : i32
    %dma_wait3A_82 = tpu.memref_slice %arg2[%dma_wait3A_79, %dma_wait3A_80, %dma_wait3A_81] : memref<20000x1x128xf32, #tpu.memory_space<hbm>> -> memref<80x1x128xf32, #tpu.memory_space<hbm>>
    tpu.wait_dma2 semaphore(%arg13 : memref<!tpu.dma_semaphore, #tpu.memory_space<semaphore_mem>>) src(%dma_wait3A_82 : memref<80x1x128xf32, #tpu.memory_space<hbm>>) dst(%dma_wait3A_78 : memref<80x1x128xf32, #tpu.memory_space<vmem>>)
    %dma_wait3A_83 = arith.constant 0 : i32
    %dma_wait3A_84 = arith.constant 0 : i32
    %dma_wait3A_85 = arith.constant 0 : i32
    %dma_wait3A_86 = tpu.memref_slice %arg11[%dma_wait3A_83, %dma_wait3A_84, %dma_wait3A_85] : memref<2x80x128xf32, #tpu.memory_space<vmem>> -> memref<1x80x128xf32, #tpu.memory_space<vmem>>
    %dma_wait3A_87 = tpu.memref_squeeze %dma_wait3A_86 : memref<1x80x128xf32, #tpu.memory_space<vmem>> -> memref<80x128xf32, #tpu.memory_space<vmem>>
    %dma_wait3A_88 = arith.constant 0 : i32
    %dma_wait3A_89 = arith.constant 0 : i32
    %dma_wait3A_90 = tpu.memref_slice %arg5[%dma_wait3A_88, %dma_wait3A_89] : memref<320000x128xf32, #tpu.memory_space<hbm>> -> memref<80x128xf32, #tpu.memory_space<hbm>>
    %dma_wait3A_91 = arith.constant 0 : i32
    %dma_wait3A_92 = arith.constant 0 : i32
    %dma_wait3A_93 = tpu.memref_slice %arg11[%dma_wait3A_83, %dma_wait3A_91, %dma_wait3A_92] : memref<2x80x128xf32, #tpu.memory_space<vmem>> -> memref<1x80x128xf32, #tpu.memory_space<vmem>>
    %dma_wait3A_94 = tpu.memref_squeeze %dma_wait3A_93 : memref<1x80x128xf32, #tpu.memory_space<vmem>> -> memref<80x128xf32, #tpu.memory_space<vmem>>
    %dma_wait3A_95 = arith.constant 0 : i32
    %dma_wait3A_96 = arith.constant 0 : i32
    %dma_wait3A_97 = tpu.memref_slice %arg5[%dma_wait3A_95, %dma_wait3A_96] : memref<320000x128xf32, #tpu.memory_space<hbm>> -> memref<80x128xf32, #tpu.memory_space<hbm>>
    tpu.wait_dma2 semaphore(%arg13 : memref<!tpu.dma_semaphore, #tpu.memory_space<semaphore_mem>>) src(%dma_wait3A_97 : memref<80x128xf32, #tpu.memory_space<hbm>>) dst(%dma_wait3A_94 : memref<80x128xf32, #tpu.memory_space<vmem>>)
    %scan3A_98 = arith.constant 0 : i32
    %scan3A_99 = arith.constant 0 : i32
    %scan3A_100 = arith.constant 80 : i32
    %scan3A_101 = arith.addi %scan3A_99, %scan3A_100 : i32
    %scan3A_102 = arith.constant 1 : i32
    scf.for %scan3A_106 = %scan3A_99 to %scan3A_101 step %scan3A_102  : i32 {
      %get3A = arith.constant 0 : i32
      %get3A_107 = arith.constant 0 : i32
      %get3A_108 = arith.index_cast %get3A : i32 to index
      %get3A_109 = arith.index_cast %scan3A_106 : i32 to index
      %get3A_110 = arith.index_cast %get3A_107 : i32 to index
      %get3A_111 = arith.constant 0 : index
      %get3A_112 = tpu.vector_load %arg9[%get3A_108, %get3A_109, %get3A_110, %get3A_111] {strides = array<i32>} : memref<2x80x1x128xf32, #tpu.memory_space<vmem>>, vector<1x1x1x16xf32>,
      %get3A_113 = vector.shape_cast %get3A_112 : vector<1x1x1x16xf32> to vector<16xf32>
      %get3A_114 = arith.constant 0 : i32
      %get3A_115 = arith.constant 0 : i32
      %get3A_116 = arith.index_cast %get3A_114 : i32 to index
      %get3A_117 = arith.index_cast %scan3A_106 : i32 to index
      %get3A_118 = arith.index_cast %get3A_115 : i32 to index
      %get3A_119 = arith.constant 0 : index
      %get3A_120 = tpu.vector_load %arg10[%get3A_116, %get3A_117, %get3A_118, %get3A_119] {strides = array<i32>} : memref<2x80x1x128xf32, #tpu.memory_space<vmem>>, vector<1x1x1x16xf32>,
      %get3A_121 = vector.shape_cast %get3A_120 : vector<1x1x1x16xf32> to vector<16xf32>
      %add3A_122 = arith.addf %get3A_113, %get3A_121 : vector<16xf32>
      %get3A_123 = arith.constant 0 : i32
      %get3A_124 = arith.index_cast %get3A_123 : i32 to index
      %get3A_125 = arith.index_cast %scan3A_106 : i32 to index
      %get3A_126 = arith.constant 0 : index
      %get3A_127 = tpu.vector_load %arg11[%get3A_124, %get3A_125, %get3A_126] {strides = array<i32>} : memref<2x80x128xf32, #tpu.memory_space<vmem>>, vector<1x1x16xf32>,
      %get3A_128 = vector.shape_cast %get3A_127 : vector<1x1x16xf32> to vector<16xf32>
      %add3A_129 = arith.addf %add3A_122, %get3A_128 : vector<16xf32>
      %swap3A = arith.constant 0 : i32
      %swap3A_130 = arith.index_cast %swap3A : i32 to index
      %swap3A_131 = arith.index_cast %scan3A_106 : i32 to index
      %swap3A_132 = arith.constant 0 : index
      %swap3A_133 = tpu.vector_load %arg12[%swap3A_130, %swap3A_131, %swap3A_132] {strides = array<i32>} : memref<2x80x128xf32, #tpu.memory_space<vmem>>, vector<1x1x16xf32>,
      %swap3A_134 = vector.shape_cast %swap3A_133 : vector<1x1x16xf32> to vector<16xf32>
      %swap3A_135 = vector.shape_cast %add3A_129 : vector<16xf32> to vector<1x1x16xf32>
      tpu.vector_store %arg12[%swap3A_130, %swap3A_131, %swap3A_132], %swap3A_135 {strides = array<i32>} : memref<2x80x128xf32, #tpu.memory_space<vmem>>, vector<1x1x16xf32>,
      %get3A_136 = arith.constant 0 : i32
      %get3A_137 = arith.constant 0 : i32
      %get3A_138 = arith.index_cast %get3A_136 : i32 to index
      %get3A_139 = arith.index_cast %scan3A_106 : i32 to index
      %get3A_140 = arith.index_cast %get3A_137 : i32 to index
      %get3A_141 = arith.constant 16 : index
      %get3A_142 = tpu.vector_load %arg9[%get3A_138, %get3A_139, %get3A_140, %get3A_141] {strides = array<i32>} : memref<2x80x1x128xf32, #tpu.memory_space<vmem>>, vector<1x1x1x16xf32>,
      %get3A_143 = vector.shape_cast %get3A_142 : vector<1x1x1x16xf32> to vector<16xf32>
      %get3A_144 = arith.constant 0 : i32
      %get3A_145 = arith.constant 0 : i32
      %get3A_146 = arith.index_cast %get3A_144 : i32 to index
      %get3A_147 = arith.index_cast %scan3A_106 : i32 to index
      %get3A_148 = arith.index_cast %get3A_145 : i32 to index
      %get3A_149 = arith.constant 16 : index
      %get3A_150 = tpu.vector_load %arg10[%get3A_146, %get3A_147, %get3A_148, %get3A_149] {strides = array<i32>} : memref<2x80x1x128xf32, #tpu.memory_space<vmem>>, vector<1x1x1x16xf32>,
      %get3A_151 = vector.shape_cast %get3A_150 : vector<1x1x1x16xf32> to vector<16xf32>
      %add3A_152 = arith.addf %get3A_143, %get3A_151 : vector<16xf32>
      %get3A_153 = arith.constant 0 : i32
      %get3A_154 = arith.index_cast %get3A_153 : i32 to index
      %get3A_155 = arith.index_cast %scan3A_106 : i32 to index
      %get3A_156 = arith.constant 16 : index
      %get3A_157 = tpu.vector_load %arg11[%get3A_154, %get3A_155, %get3A_156] {strides = array<i32>} : memref<2x80x128xf32, #tpu.memory_space<vmem>>, vector<1x1x16xf32>,
      %get3A_158 = vector.shape_cast %get3A_157 : vector<1x1x16xf32> to vector<16xf32>
      %add3A_159 = arith.addf %add3A_152, %get3A_158 : vector<16xf32>
      %swap3A_160 = arith.constant 0 : i32
      %swap3A_161 = arith.index_cast %swap3A_160 : i32 to index
      %swap3A_162 = arith.index_cast %scan3A_106 : i32 to index
      %swap3A_163 = arith.constant 16 : index
      %swap3A_164 = tpu.vector_load %arg12[%swap3A_161, %swap3A_162, %swap3A_163] {strides = array<i32>} : memref<2x80x128xf32, #tpu.memory_space<vmem>>, vector<1x1x16xf32>,
      %swap3A_165 = vector.shape_cast %swap3A_164 : vector<1x1x16xf32> to vector<16xf32>
      %swap3A_166 = vector.shape_cast %add3A_159 : vector<16xf32> to vector<1x1x16xf32>
      tpu.vector_store %arg12[%swap3A_161, %swap3A_162, %swap3A_163], %swap3A_166 {strides = array<i32>} : memref<2x80x128xf32, #tpu.memory_space<vmem>>, vector<1x1x16xf32>,
      %get3A_167 = arith.constant 0 : i32
      %get3A_168 = arith.constant 0 : i32
      %get3A_169 = arith.index_cast %get3A_167 : i32 to index
      %get3A_170 = arith.index_cast %scan3A_106 : i32 to index
      %get3A_171 = arith.index_cast %get3A_168 : i32 to index
      %get3A_172 = arith.constant 32 : index
      %get3A_173 = tpu.vector_load %arg9[%get3A_169, %get3A_170, %get3A_171, %get3A_172] {strides = array<i32>} : memref<2x80x1x128xf32, #tpu.memory_space<vmem>>, vector<1x1x1x16xf32>,
      %get3A_174 = vector.shape_cast %get3A_173 : vector<1x1x1x16xf32> to vector<16xf32>
      %get3A_175 = arith.constant 0 : i32
      %get3A_176 = arith.constant 0 : i32
      %get3A_177 = arith.index_cast %get3A_175 : i32 to index
      %get3A_178 = arith.index_cast %scan3A_106 : i32 to index
      %get3A_179 = arith.index_cast %get3A_176 : i32 to index
      %get3A_180 = arith.constant 32 : index
      %get3A_181 = tpu.vector_load %arg10[%get3A_177, %get3A_178, %get3A_179, %get3A_180] {strides = array<i32>} : memref<2x80x1x128xf32, #tpu.memory_space<vmem>>, vector<1x1x1x16xf32>,
      %get3A_182 = vector.shape_cast %get3A_181 : vector<1x1x1x16xf32> to vector<16xf32>
      %add3A_183 = arith.addf %get3A_174, %get3A_182 : vector<16xf32>
      %get3A_184 = arith.constant 0 : i32
      %get3A_185 = arith.index_cast %get3A_184 : i32 to index
      %get3A_186 = arith.index_cast %scan3A_106 : i32 to index
      %get3A_187 = arith.constant 32 : index
      %get3A_188 = tpu.vector_load %arg11[%get3A_185, %get3A_186, %get3A_187] {strides = array<i32>} : memref<2x80x128xf32, #tpu.memory_space<vmem>>, vector<1x1x16xf32>,
      %get3A_189 = vector.shape_cast %get3A_188 : vector<1x1x16xf32> to vector<16xf32>
      %add3A_190 = arith.addf %add3A_183, %get3A_189 : vector<16xf32>
      %swap3A_191 = arith.constant 0 : i32
      %swap3A_192 = arith.index_cast %swap3A_191 : i32 to index
      %swap3A_193 = arith.index_cast %scan3A_106 : i32 to index
      %swap3A_194 = arith.constant 32 : index
      %swap3A_195 = tpu.vector_load %arg12[%swap3A_192, %swap3A_193, %swap3A_194] {strides = array<i32>} : memref<2x80x128xf32, #tpu.memory_space<vmem>>, vector<1x1x16xf32>,
      %swap3A_196 = vector.shape_cast %swap3A_195 : vector<1x1x16xf32> to vector<16xf32>
      %swap3A_197 = vector.shape_cast %add3A_190 : vector<16xf32> to vector<1x1x16xf32>
      tpu.vector_store %arg12[%swap3A_192, %swap3A_193, %swap3A_194], %swap3A_197 {strides = array<i32>} : memref<2x80x128xf32, #tpu.memory_space<vmem>>, vector<1x1x16xf32>,
      %get3A_198 = arith.constant 0 : i32
      %get3A_199 = arith.constant 0 : i32
      %get3A_200 = arith.index_cast %get3A_198 : i32 to index
      %get3A_201 = arith.index_cast %scan3A_106 : i32 to index
      %get3A_202 = arith.index_cast %get3A_199 : i32 to index
      %get3A_203 = arith.constant 48 : index
      %get3A_204 = tpu.vector_load %arg9[%get3A_200, %get3A_201, %get3A_202, %get3A_203] {strides = array<i32>} : memref<2x80x1x128xf32, #tpu.memory_space<vmem>>, vector<1x1x1x16xf32>,
      %get3A_205 = vector.shape_cast %get3A_204 : vector<1x1x1x16xf32> to vector<16xf32>
      %get3A_206 = arith.constant 0 : i32
      %get3A_207 = arith.constant 0 : i32
      %get3A_208 = arith.index_cast %get3A_206 : i32 to index
      %get3A_209 = arith.index_cast %scan3A_106 : i32 to index
      %get3A_210 = arith.index_cast %get3A_207 : i32 to index
      %get3A_211 = arith.constant 48 : index
      %get3A_212 = tpu.vector_load %arg10[%get3A_208, %get3A_209, %get3A_210, %get3A_211] {strides = array<i32>} : memref<2x80x1x128xf32, #tpu.memory_space<vmem>>, vector<1x1x1x16xf32>,
      %get3A_213 = vector.shape_cast %get3A_212 : vector<1x1x1x16xf32> to vector<16xf32>
      %add3A_214 = arith.addf %get3A_205, %get3A_213 : vector<16xf32>
      %get3A_215 = arith.constant 0 : i32
      %get3A_216 = arith.index_cast %get3A_215 : i32 to index
      %get3A_217 = arith.index_cast %scan3A_106 : i32 to index
      %get3A_218 = arith.constant 48 : index
      %get3A_219 = tpu.vector_load %arg11[%get3A_216, %get3A_217, %get3A_218] {strides = array<i32>} : memref<2x80x128xf32, #tpu.memory_space<vmem>>, vector<1x1x16xf32>,
      %get3A_220 = vector.shape_cast %get3A_219 : vector<1x1x16xf32> to vector<16xf32>
      %add3A_221 = arith.addf %add3A_214, %get3A_220 : vector<16xf32>
      %swap3A_222 = arith.constant 0 : i32
      %swap3A_223 = arith.index_cast %swap3A_222 : i32 to index
      %swap3A_224 = arith.index_cast %scan3A_106 : i32 to index
      %swap3A_225 = arith.constant 48 : index
      %swap3A_226 = tpu.vector_load %arg12[%swap3A_223, %swap3A_224, %swap3A_225] {strides = array<i32>} : memref<2x80x128xf32, #tpu.memory_space<vmem>>, vector<1x1x16xf32>,
      %swap3A_227 = vector.shape_cast %swap3A_226 : vector<1x1x16xf32> to vector<16xf32>
      %swap3A_228 = vector.shape_cast %add3A_221 : vector<16xf32> to vector<1x1x16xf32>
      tpu.vector_store %arg12[%swap3A_223, %swap3A_224, %swap3A_225], %swap3A_228 {strides = array<i32>} : memref<2x80x128xf32, #tpu.memory_space<vmem>>, vector<1x1x16xf32>,
      %get3A_229 = arith.constant 0 : i32
      %get3A_230 = arith.constant 0 : i32
      %get3A_231 = arith.index_cast %get3A_229 : i32 to index
      %get3A_232 = arith.index_cast %scan3A_106 : i32 to index
      %get3A_233 = arith.index_cast %get3A_230 : i32 to index
      %get3A_234 = arith.constant 64 : index
      %get3A_235 = tpu.vector_load %arg9[%get3A_231, %get3A_232, %get3A_233, %get3A_234] {strides = array<i32>} : memref<2x80x1x128xf32, #tpu.memory_space<vmem>>, vector<1x1x1x16xf32>,
      %get3A_236 = vector.shape_cast %get3A_235 : vector<1x1x1x16xf32> to vector<16xf32>
      %get3A_237 = arith.constant 0 : i32
      %get3A_238 = arith.constant 0 : i32
      %get3A_239 = arith.index_cast %get3A_237 : i32 to index
      %get3A_240 = arith.index_cast %scan3A_106 : i32 to index
      %get3A_241 = arith.index_cast %get3A_238 : i32 to index
      %get3A_242 = arith.constant 64 : index
      %get3A_243 = tpu.vector_load %arg10[%get3A_239, %get3A_240, %get3A_241, %get3A_242] {strides = array<i32>} : memref<2x80x1x128xf32, #tpu.memory_space<vmem>>, vector<1x1x1x16xf32>,
      %get3A_244 = vector.shape_cast %get3A_243 : vector<1x1x1x16xf32> to vector<16xf32>
      %add3A_245 = arith.addf %get3A_236, %get3A_244 : vector<16xf32>
      %get3A_246 = arith.constant 0 : i32
      %get3A_247 = arith.index_cast %get3A_246 : i32 to index
      %get3A_248 = arith.index_cast %scan3A_106 : i32 to index
      %get3A_249 = arith.constant 64 : index
      %get3A_250 = tpu.vector_load %arg11[%get3A_247, %get3A_248, %get3A_249] {strides = array<i32>} : memref<2x80x128xf32, #tpu.memory_space<vmem>>, vector<1x1x16xf32>,
      %get3A_251 = vector.shape_cast %get3A_250 : vector<1x1x16xf32> to vector<16xf32>
      %add3A_252 = arith.addf %add3A_245, %get3A_251 : vector<16xf32>
      %swap3A_253 = arith.constant 0 : i32
      %swap3A_254 = arith.index_cast %swap3A_253 : i32 to index
      %swap3A_255 = arith.index_cast %scan3A_106 : i32 to index
      %swap3A_256 = arith.constant 64 : index
      %swap3A_257 = tpu.vector_load %arg12[%swap3A_254, %swap3A_255, %swap3A_256] {strides = array<i32>} : memref<2x80x128xf32, #tpu.memory_space<vmem>>, vector<1x1x16xf32>,
      %swap3A_258 = vector.shape_cast %swap3A_257 : vector<1x1x16xf32> to vector<16xf32>
      %swap3A_259 = vector.shape_cast %add3A_252 : vector<16xf32> to vector<1x1x16xf32>
      tpu.vector_store %arg12[%swap3A_254, %swap3A_255, %swap3A_256], %swap3A_259 {strides = array<i32>} : memref<2x80x128xf32, #tpu.memory_space<vmem>>, vector<1x1x16xf32>,
      %get3A_260 = arith.constant 0 : i32
      %get3A_261 = arith.constant 0 : i32
      %get3A_262 = arith.index_cast %get3A_260 : i32 to index
      %get3A_263 = arith.index_cast %scan3A_106 : i32 to index
      %get3A_264 = arith.index_cast %get3A_261 : i32 to index
      %get3A_265 = arith.constant 80 : index
      %get3A_266 = tpu.vector_load %arg9[%get3A_262, %get3A_263, %get3A_264, %get3A_265] {strides = array<i32>} : memref<2x80x1x128xf32, #tpu.memory_space<vmem>>, vector<1x1x1x16xf32>,
      %get3A_267 = vector.shape_cast %get3A_266 : vector<1x1x1x16xf32> to vector<16xf32>
      %get3A_268 = arith.constant 0 : i32
      %get3A_269 = arith.constant 0 : i32
      %get3A_270 = arith.index_cast %get3A_268 : i32 to index
      %get3A_271 = arith.index_cast %scan3A_106 : i32 to index
      %get3A_272 = arith.index_cast %get3A_269 : i32 to index
      %get3A_273 = arith.constant 80 : index
      %get3A_274 = tpu.vector_load %arg10[%get3A_270, %get3A_271, %get3A_272, %get3A_273] {strides = array<i32>} : memref<2x80x1x128xf32, #tpu.memory_space<vmem>>, vector<1x1x1x16xf32>,
      %get3A_275 = vector.shape_cast %get3A_274 : vector<1x1x1x16xf32> to vector<16xf32>
      %add3A_276 = arith.addf %get3A_267, %get3A_275 : vector<16xf32>
      %get3A_277 = arith.constant 0 : i32
      %get3A_278 = arith.index_cast %get3A_277 : i32 to index
      %get3A_279 = arith.index_cast %scan3A_106 : i32 to index
      %get3A_280 = arith.constant 80 : index
      %get3A_281 = tpu.vector_load %arg11[%get3A_278, %get3A_279, %get3A_280] {strides = array<i32>} : memref<2x80x128xf32, #tpu.memory_space<vmem>>, vector<1x1x16xf32>,
      %get3A_282 = vector.shape_cast %get3A_281 : vector<1x1x16xf32> to vector<16xf32>
      %add3A_283 = arith.addf %add3A_276, %get3A_282 : vector<16xf32>
      %swap3A_284 = arith.constant 0 : i32
      %swap3A_285 = arith.index_cast %swap3A_284 : i32 to index
      %swap3A_286 = arith.index_cast %scan3A_106 : i32 to index
      %swap3A_287 = arith.constant 80 : index
      %swap3A_288 = tpu.vector_load %arg12[%swap3A_285, %swap3A_286, %swap3A_287] {strides = array<i32>} : memref<2x80x128xf32, #tpu.memory_space<vmem>>, vector<1x1x16xf32>,
      %swap3A_289 = vector.shape_cast %swap3A_288 : vector<1x1x16xf32> to vector<16xf32>
      %swap3A_290 = vector.shape_cast %add3A_283 : vector<16xf32> to vector<1x1x16xf32>
      tpu.vector_store %arg12[%swap3A_285, %swap3A_286, %swap3A_287], %swap3A_290 {strides = array<i32>} : memref<2x80x128xf32, #tpu.memory_space<vmem>>, vector<1x1x16xf32>,
      %get3A_291 = arith.constant 0 : i32
      %get3A_292 = arith.constant 0 : i32
      %get3A_293 = arith.index_cast %get3A_291 : i32 to index
      %get3A_294 = arith.index_cast %scan3A_106 : i32 to index
      %get3A_295 = arith.index_cast %get3A_292 : i32 to index
      %get3A_296 = arith.constant 96 : index
      %get3A_297 = tpu.vector_load %arg9[%get3A_293, %get3A_294, %get3A_295, %get3A_296] {strides = array<i32>} : memref<2x80x1x128xf32, #tpu.memory_space<vmem>>, vector<1x1x1x16xf32>,
      %get3A_298 = vector.shape_cast %get3A_297 : vector<1x1x1x16xf32> to vector<16xf32>
      %get3A_299 = arith.constant 0 : i32
      %get3A_300 = arith.constant 0 : i32
      %get3A_301 = arith.index_cast %get3A_299 : i32 to index
      %get3A_302 = arith.index_cast %scan3A_106 : i32 to index
      %get3A_303 = arith.index_cast %get3A_300 : i32 to index
      %get3A_304 = arith.constant 96 : index
      %get3A_305 = tpu.vector_load %arg10[%get3A_301, %get3A_302, %get3A_303, %get3A_304] {strides = array<i32>} : memref<2x80x1x128xf32, #tpu.memory_space<vmem>>, vector<1x1x1x16xf32>,
      %get3A_306 = vector.shape_cast %get3A_305 : vector<1x1x1x16xf32> to vector<16xf32>
      %add3A_307 = arith.addf %get3A_298, %get3A_306 : vector<16xf32>
      %get3A_308 = arith.constant 0 : i32
      %get3A_309 = arith.index_cast %get3A_308 : i32 to index
      %get3A_310 = arith.index_cast %scan3A_106 : i32 to index
      %get3A_311 = arith.constant 96 : index
      %get3A_312 = tpu.vector_load %arg11[%get3A_309, %get3A_310, %get3A_311] {strides = array<i32>} : memref<2x80x128xf32, #tpu.memory_space<vmem>>, vector<1x1x16xf32>,
      %get3A_313 = vector.shape_cast %get3A_312 : vector<1x1x16xf32> to vector<16xf32>
      %add3A_314 = arith.addf %add3A_307, %get3A_313 : vector<16xf32>
      %swap3A_315 = arith.constant 0 : i32
      %swap3A_316 = arith.index_cast %swap3A_315 : i32 to index
      %swap3A_317 = arith.index_cast %scan3A_106 : i32 to index
      %swap3A_318 = arith.constant 96 : index
      %swap3A_319 = tpu.vector_load %arg12[%swap3A_316, %swap3A_317, %swap3A_318] {strides = array<i32>} : memref<2x80x128xf32, #tpu.memory_space<vmem>>, vector<1x1x16xf32>,
      %swap3A_320 = vector.shape_cast %swap3A_319 : vector<1x1x16xf32> to vector<16xf32>
      %swap3A_321 = vector.shape_cast %add3A_314 : vector<16xf32> to vector<1x1x16xf32>
      tpu.vector_store %arg12[%swap3A_316, %swap3A_317, %swap3A_318], %swap3A_321 {strides = array<i32>} : memref<2x80x128xf32, #tpu.memory_space<vmem>>, vector<1x1x16xf32>,
      %get3A_322 = arith.constant 0 : i32
      %get3A_323 = arith.constant 0 : i32
      %get3A_324 = arith.index_cast %get3A_322 : i32 to index
      %get3A_325 = arith.index_cast %scan3A_106 : i32 to index
      %get3A_326 = arith.index_cast %get3A_323 : i32 to index
      %get3A_327 = arith.constant 112 : index
      %get3A_328 = tpu.vector_load %arg9[%get3A_324, %get3A_325, %get3A_326, %get3A_327] {strides = array<i32>} : memref<2x80x1x128xf32, #tpu.memory_space<vmem>>, vector<1x1x1x16xf32>,
      %get3A_329 = vector.shape_cast %get3A_328 : vector<1x1x1x16xf32> to vector<16xf32>
      %get3A_330 = arith.constant 0 : i32
      %get3A_331 = arith.constant 0 : i32
      %get3A_332 = arith.index_cast %get3A_330 : i32 to index
      %get3A_333 = arith.index_cast %scan3A_106 : i32 to index
      %get3A_334 = arith.index_cast %get3A_331 : i32 to index
      %get3A_335 = arith.constant 112 : index
      %get3A_336 = tpu.vector_load %arg10[%get3A_332, %get3A_333, %get3A_334, %get3A_335] {strides = array<i32>} : memref<2x80x1x128xf32, #tpu.memory_space<vmem>>, vector<1x1x1x16xf32>,
      %get3A_337 = vector.shape_cast %get3A_336 : vector<1x1x1x16xf32> to vector<16xf32>
      %add3A_338 = arith.addf %get3A_329, %get3A_337 : vector<16xf32>
      %get3A_339 = arith.constant 0 : i32
      %get3A_340 = arith.index_cast %get3A_339 : i32 to index
      %get3A_341 = arith.index_cast %scan3A_106 : i32 to index
      %get3A_342 = arith.constant 112 : index
      %get3A_343 = tpu.vector_load %arg11[%get3A_340, %get3A_341, %get3A_342] {strides = array<i32>} : memref<2x80x128xf32, #tpu.memory_space<vmem>>, vector<1x1x16xf32>,
      %get3A_344 = vector.shape_cast %get3A_343 : vector<1x1x16xf32> to vector<16xf32>
      %add3A_345 = arith.addf %add3A_338, %get3A_344 : vector<16xf32>
      %swap3A_346 = arith.constant 0 : i32
      %swap3A_347 = arith.index_cast %swap3A_346 : i32 to index
      %swap3A_348 = arith.index_cast %scan3A_106 : i32 to index
      %swap3A_349 = arith.constant 112 : index
      %swap3A_350 = tpu.vector_load %arg12[%swap3A_347, %swap3A_348, %swap3A_349] {strides = array<i32>} : memref<2x80x128xf32, #tpu.memory_space<vmem>>, vector<1x1x16xf32>,
      %swap3A_351 = vector.shape_cast %swap3A_350 : vector<1x1x16xf32> to vector<16xf32>
      %swap3A_352 = vector.shape_cast %add3A_345 : vector<16xf32> to vector<1x1x16xf32>
      tpu.vector_store %arg12[%swap3A_347, %swap3A_348, %swap3A_349], %swap3A_352 {strides = array<i32>} : memref<2x80x128xf32, #tpu.memory_space<vmem>>, vector<1x1x16xf32>,
    }
    %scan3A_103 = arith.constant 80 : i32
    %add3A_104 = arith.constant 9920 : i32
    %add3A_105 = arith.addi %mul3A_2, %add3A_104 : i32
    %run_scoped3A = arith.constant 0 : i32
    "tpu.region"() ({
      %run_scoped3A_106 = tpu.sem_alloc : memref<!tpu.dma_semaphore, #tpu.memory_space<semaphore_mem>>
      %dma_start3A_107 = arith.constant 0 : i32
      %dma_start3A_108 = arith.constant 0 : i32
      %dma_start3A_109 = tpu.memref_slice %arg12[%run_scoped3A, %dma_start3A_107, %dma_start3A_108] : memref<2x80x128xf32, #tpu.memory_space<vmem>> -> memref<1x80x128xf32, #tpu.memory_space<vmem>>
      %dma_start3A_110 = tpu.memref_squeeze %dma_start3A_109 : memref<1x80x128xf32, #tpu.memory_space<vmem>> -> memref<80x128xf32, #tpu.memory_space<vmem>>
      %dma_start3A_111 = arith.constant 0 : i32
      %dma_start3A_112 = tpu.memref_slice %arg6[%add3A_105, %dma_start3A_111] : memref<320000x128xf32, #tpu.memory_space<hbm>> -> memref<80x128xf32, #tpu.memory_space<hbm>>
      %dma_start3A_113 = arith.constant 0 : i32
      %dma_start3A_114 = tpu.memref_slice %arg6[%add3A_105, %dma_start3A_113] : memref<320000x128xf32, #tpu.memory_space<hbm>> -> memref<80x128xf32, #tpu.memory_space<hbm>>
      %dma_start3A_115 = arith.constant 0 : i32
      %dma_start3A_116 = arith.constant 0 : i32
      %dma_start3A_117 = tpu.memref_slice %arg12[%run_scoped3A, %dma_start3A_115, %dma_start3A_116] : memref<2x80x128xf32, #tpu.memory_space<vmem>> -> memref<1x80x128xf32, #tpu.memory_space<vmem>>
      %dma_start3A_118 = tpu.memref_squeeze %dma_start3A_117 : memref<1x80x128xf32, #tpu.memory_space<vmem>> -> memref<80x128xf32, #tpu.memory_space<vmem>>
      tpu.enqueue_dma source(%dma_start3A_118 : memref<80x128xf32, #tpu.memory_space<vmem>>) target(%dma_start3A_114 : memref<80x128xf32, #tpu.memory_space<hbm>>) target_semaphore(%run_scoped3A_106 : memref<!tpu.dma_semaphore, #tpu.memory_space<semaphore_mem>>)
      %dma_wait3A_119 = arith.constant 0 : i32
      %dma_wait3A_120 = arith.constant 0 : i32
      %dma_wait3A_121 = tpu.memref_slice %arg12[%run_scoped3A, %dma_wait3A_119, %dma_wait3A_120] : memref<2x80x128xf32, #tpu.memory_space<vmem>> -> memref<1x80x128xf32, #tpu.memory_space<vmem>>
      %dma_wait3A_122 = tpu.memref_squeeze %dma_wait3A_121 : memref<1x80x128xf32, #tpu.memory_space<vmem>> -> memref<80x128xf32, #tpu.memory_space<vmem>>
      %dma_wait3A_123 = arith.constant 0 : i32
      %dma_wait3A_124 = tpu.memref_slice %arg6[%add3A_105, %dma_wait3A_123] : memref<320000x128xf32, #tpu.memory_space<hbm>> -> memref<80x128xf32, #tpu.memory_space<hbm>>
      %dma_wait3A_125 = arith.constant 0 : i32
      %dma_wait3A_126 = tpu.memref_slice %arg6[%add3A_105, %dma_wait3A_125] : memref<320000x128xf32, #tpu.memory_space<hbm>> -> memref<80x128xf32, #tpu.memory_space<hbm>>
      %dma_wait3A_127 = arith.constant 0 : i32
      %dma_wait3A_128 = arith.constant 0 : i32
      %dma_wait3A_129 = tpu.memref_slice %arg12[%run_scoped3A, %dma_wait3A_127, %dma_wait3A_128] : memref<2x80x128xf32, #tpu.memory_space<vmem>> -> memref<1x80x128xf32, #tpu.memory_space<vmem>>
      %dma_wait3A_130 = tpu.memref_squeeze %dma_wait3A_129 : memref<1x80x128xf32, #tpu.memory_space<vmem>> -> memref<80x128xf32, #tpu.memory_space<vmem>>
      tpu.wait_dma2 semaphore(%run_scoped3A_106 : memref<!tpu.dma_semaphore, #tpu.memory_space<semaphore_mem>>) src(%dma_wait3A_130 : memref<80x128xf32, #tpu.memory_space<vmem>>) dst(%dma_wait3A_126 : memref<80x128xf32, #tpu.memory_space<hbm>>)
      tpu.yield
    }) : () -> ()
    return
  }
}

module attributes {stable_mosaic.version = 14 : i64} {
  func.func @_matmul_body_bf16(%arg0: i32, %arg1: memref<3200x16xf32, #tpu.memory_space<vmem>>, %arg2: memref<16x128xbf16, #tpu.memory_space<vmem>>, %arg3: memref<3200x128xf32, #tpu.memory_space<vmem>>) attributes {dimension_semantics = [#tpu.dimension_semantics<arbitrary>], iteration_bounds = array<i64: 100>, scalar_prefetch = 0 : i64, scratch_operands = 0 : i64, tpu.core_type = #tpu.core_type<tc>, window_params = [{transform_indices = @transform_0, window_bounds = array<i64: 3200, 16>}, {pipeline_mode = #tpu.pipeline_mode<synchronous>, transform_indices = @transform_1, window_bounds = array<i64: 16, 128>}, {transform_indices = @transform_2, window_bounds = array<i64: 3200, 128>}]} {
    %get3A = arith.constant 0 : index
    %get3A_0 = arith.constant 0 : index
    %get3A_1 = vector.load %arg1[%get3A, %get3A_0] : memref<3200x16xf32, #tpu.memory_space<vmem>>, vector<3200x16xf32>
    %convert_element_type3A = arith.truncf %get3A_1 : vector<3200x16xf32> to vector<3200x16xbf16>
    %get3A_2 = arith.constant 0 : index
    %get3A_3 = arith.constant 0 : index
    %get3A_4 = vector.load %arg2[%get3A_2, %get3A_3] : memref<16x128xbf16, #tpu.memory_space<vmem>>, vector<16x128xbf16>
    %dot_general3A = arith.constant dense<0.000000e+00> : vector<3200x128xf32>
    %dot_general3A_5 = tpu.matmul %convert_element_type3A, %get3A_4, %dot_general3A {dimension_numbers = #tpu.dot_dimension_numbers<[1], [0], [0], [1], [0, 0, 1, 1], [], []>, transpose_lhs_hint = false} : vector<3200x16xbf16>, vector<16x128xbf16>, vector<3200x128xf32> -> vector<3200x128xf32>
    %swap3A = arith.constant 0 : index
    %swap3A_6 = arith.constant 0 : index
    %swap3A_7 = vector.load %arg3[%swap3A, %swap3A_6] : memref<3200x128xf32, #tpu.memory_space<vmem>>, vector<3200x128xf32>
    tpu.vector_store %arg3[%swap3A, %swap3A_6], %dot_general3A_5 {strides = array<i32>} : memref<3200x128xf32, #tpu.memory_space<vmem>>, vector<3200x128xf32>,
    return
  }
  func.func @transform_0(%arg0: i32) -> (i32, i32) {
    %c0_i32 = arith.constant 0 : i32
    %c0_i32_0 = arith.constant 0 : i32
    return %arg0, %c0_i32 : i32, i32
  }
  func.func @transform_1(%arg0: i32) -> (i32, i32) {
    %c0_i32 = arith.constant 0 : i32
    %c0_i32_0 = arith.constant 0 : i32
    %c0_i32_1 = arith.constant 0 : i32
    return %c0_i32, %c0_i32_0 : i32, i32
  }
  func.func @transform_2(%arg0: i32) -> (i32, i32) {
    %c0_i32 = arith.constant 0 : i32
    %c0_i32_0 = arith.constant 0 : i32
    return %arg0, %c0_i32 : i32, i32
  }
}

module attributes {stable_mosaic.version = 14 : i64} {
  func.func @_matmul_body_f32(%arg0: i32, %arg1: memref<10000x128xf32, #tpu.memory_space<vmem>>, %arg2: memref<128x128xf32, #tpu.memory_space<vmem>>, %arg3: memref<10000x128xf32, #tpu.memory_space<vmem>>) attributes {dimension_semantics = [#tpu.dimension_semantics<arbitrary>], iteration_bounds = array<i64: 2>, scalar_prefetch = 0 : i64, scratch_operands = 0 : i64, tpu.core_type = #tpu.core_type<tc>, window_params = [{pipeline_mode = #tpu.pipeline_mode<synchronous>, transform_indices = @transform_0, window_bounds = array<i64: 10000, 128>}, {transform_indices = @transform_1, window_bounds = array<i64: 128, 128>}, {transform_indices = @transform_2, window_bounds = array<i64: 10000, 128>}]} {
    %get3A = arith.constant 0 : index
    %get3A_0 = arith.constant 0 : index
    %get3A_1 = vector.load %arg1[%get3A, %get3A_0] : memref<10000x128xf32, #tpu.memory_space<vmem>>, vector<10000x128xf32>
    %get3A_2 = arith.constant 0 : index
    %get3A_3 = arith.constant 0 : index
    %get3A_4 = vector.load %arg2[%get3A_2, %get3A_3] : memref<128x128xf32, #tpu.memory_space<vmem>>, vector<128x128xf32>
    %dot_general3A = arith.constant dense<0.000000e+00> : vector<10000x128xf32>
    %dot_general3A_5 = tpu.matmul %get3A_1, %get3A_4, %dot_general3A {dimension_numbers = #tpu.dot_dimension_numbers<[1], [0], [0], [1], [0, 0, 1, 1], [], []>, precision = #tpu.contract_precision<fp32>, transpose_lhs_hint = false} : vector<10000x128xf32>, vector<128x128xf32>, vector<10000x128xf32> -> vector<10000x128xf32>
    %swap3A = arith.constant 0 : index
    %swap3A_6 = arith.constant 0 : index
    %swap3A_7 = vector.load %arg3[%swap3A, %swap3A_6] : memref<10000x128xf32, #tpu.memory_space<vmem>>, vector<10000x128xf32>
    tpu.vector_store %arg3[%swap3A, %swap3A_6], %dot_general3A_5 {strides = array<i32>} : memref<10000x128xf32, #tpu.memory_space<vmem>>, vector<10000x128xf32>,
    return
  }
  func.func @transform_0(%arg0: i32) -> (i32, i32) {
    %c0_i32 = arith.constant 0 : i32
    %c0_i32_0 = arith.constant 0 : i32
    %c0_i32_1 = arith.constant 0 : i32
    return %c0_i32, %c0_i32_0 : i32, i32
  }
  func.func @transform_1(%arg0: i32) -> (i32, i32) {
    %c0_i32 = arith.constant 0 : i32
    %c0_i32_0 = arith.constant 0 : i32
    return %arg0, %c0_i32 : i32, i32
  }
  func.func @transform_2(%arg0: i32) -> (i32, i32) {
    %c0_i32 = arith.constant 0 : i32
    %c0_i32_0 = arith.constant 0 : i32
    return %arg0, %c0_i32 : i32, i32
  }
}

</mosaic_0001>

<sc_bundles>
// kernel: kernel.5.cloned.1.call-start
scs
__scs_entry_jumppad:
0x0: {  	(pc) =	sbr.rel $0x88, $3  }
0x1: {  	(tag) =	ssettag $0x0;
	lr =	simm.s32 $0x1  }
0x2: {  	[smem:$0x3F9D] =	sst lr;
	_ =	strace $0xD0000000  }
0x3: {  	_ = 	snop  }
0x4: {  	_ = 	snop  }
0x5: {  	_ = 	snop  }
0x6: {  	_ = 	snop  }
0x7: {  	_ = 	snop  }
__scs_overlays_trampoline_lowered:
0x8: {  	[smem:$0x3FAC] =	sst s0  }
0x9: {  	[smem:$0x3FAD] =	sst s1  }
0xa: {  	[smem:$0x3FAE] =	sst s2  }
0xb: {  	[smem:$0x3FAF] =	sst s3  }
0xc: {  	[smem:$0x3FB0] =	sst s4  }
0xd: {  	[smem:$0x3FB1] =	sst s5  }
0xe: {  	[smem:$0x3FB2] =	sst s6  }
0xf: {  	[smem:$0x3FB3] =	sst s7  }
0x10: {  	[smem:$0x3FB4] =	sst s8  }
0x11: {  	[smem:$0x3FB5] =	sst s9;
	s0 =	simm.s32 @!p0 $0x0  }
0x12: {  	s1 =	sld [smem:$0x3F9B];
	s0 =	simm.s32 @p0 $0x1  }
0x13: {  	[smem:$0x3FB6] =	sst s0;
	s0 =	simm.s32 @!p1 $0x0  }
0x14: {  	s2 =	sld [smem:$0x3F9A];
	s0 =	simm.s32 @p1 $0x1  }
0x15: {  	[smem:$0x3FB7] =	sst s0;
	s0 =	simm.s32 @!p2 $0x0  }
0x16: {  	s3 =	sld [smem:$0x3FDB];
	s0 =	simm.s32 @p2 $0x1  }
0x17: {  	s4 =	simm.s32 $0x1BF5;
	[smem:$0x3FB9] =	sst s0  }
0x18: {  	s0 =	sld [smem:$0x3F9C];
	_ =	swait.ge [sflag:s4], $0x0  }
0x19: {  	s7 =	sld [smem:$0x3F9D]  }
0x1a: {  	s8 =	sadd.s32 $0xFFFFE003, lr  }
0x1b: {  	s9 =	sadd.s32 $0xFFFFFEF7, lr;
	s5 =	simm.s32 $0xFFFFFFFF;
	p2 =	slt.u32 s8, $0xFFFFF086  }
0x1c: {  	p1 =	slt.u32 s9, $0xF7A;
	s5 =	simm.s32 @!p2 $0x0  }
0x1d: {  	s5 =	simm.s32 @p1 $0x1;
	p0 =	seq.s32 s7, s2  }
0x1e: {  	s7 =	smul.u32 @!p0 $0xF7A, s2;
	p2 =	seq.s32 @!p0 s5, $0x0  }
0x1f: {  	s9 =	smul.u32 $0xF7A, s1;
	s8 =	simm.s32 @!p0 $0x1BF5;
	p2 =	por !p2, p0  }
0x20: {  	[sflag:s8] =	ssyncset.s32 @!p0 $0xFFFFF086;
	s6 =	sadd.s32 @!p0 s3, s7;
	s7 =	simm.s32 @!p0 $0x108  }
0x21: {  	s3 =	sadd.s32 s3, s9;
	s6 =	sadd.s32 @!p0 $0x88, s6;
	s7 =	simm.s32 @p2 $0x1082  }
0x22: {  	[simem:s7], [sflag:s8] =	dma.local @!p0 [hbm:s6], $0xF7A  }
0x23: {  	s9 =	sor.u32 $0xD0000000, s2;
	s6 =	simm.s32 $0x108;
	_ =	swait.ge @!p0 [sflag:s8], $0x0  }
0x24: {  	s3 =	sadd.s32 $0x88, s3;
	s6 =	simm.s32 @!p1 $0x1082;
	[sflag:s4] =	ssyncset.s32 $0xFFFFF086  }
0x25: {  	[simem:s6], [sflag:s4] =	dma.local [hbm:s3], $0xF7A  }
0x26: {  	[smem:$0x3F9D] =	sst s1;
	(tag) =	ssettag s2;
	_ =	strace s9  }
0x27: {  	s1 =	sld [smem:$0x3FAD]  }
0x28: {  	s2 =	sld [smem:$0x3FAE]  }
0x29: {  	s4 =	sld [smem:$0x3FB0]  }
0x2a: {  	p0 =	seq.s32 s5, $0x0;
	s5 =	sld [smem:$0x3FB1]  }
0x2b: {  	s6 =	sld [smem:$0x3FB2]  }
0x2c: {  	s7 =	sld [smem:$0x3FB3]  }
0x2d: {  	s3 =	simm.s32 $0x108;
	s8 =	sld [smem:$0x3FB4]  }
0x2e: {  	s3 =	simm.s32 @!p0 $0x1082;
	s9 =	sld [smem:$0x3FB5]  }
0x2f: {  	lr =	sadd.s32 s0, s3;
	s0 =	sld [smem:$0x3FAC]  }
0x30: {  	s3 =	sld [smem:$0x3FAF]  }
0x31: {  	[smem:$0x3FB8] =	sst s10  }
0x32: {  	s10 =	sld [smem:$0x3FB6];
	_ =	sdelay $0x3  }
0x33: {  	p0 =	seq.s32 s10, $0x1;
	s10 =	sld [smem:$0x3FB8];
	_ =	sdelay $0x3  }
0x34: {  	[smem:$0x3FB8] =	sst s10  }
0x35: {  	s10 =	sld [smem:$0x3FB7];
	_ =	sdelay $0x3  }
0x36: {  	p1 =	seq.s32 s10, $0x1;
	s10 =	sld [smem:$0x3FB8];
	_ =	sdelay $0x3  }
0x37: {  	[smem:$0x3FB8] =	sst s10  }
0x38: {  	s10 =	sld [smem:$0x3FB9]  }
0x39: {  	_ = 	snop;
	(pc) =	sbr.ind lr, $3  }
0x3a: {  	_ = 	snop  }
0x3b: {  	_ = 	snop  }
0x3c: {  	p2 =	seq.s32 s10, $0x1;
	s10 =	sld [smem:$0x3FB8]  }
0x3d: {  	_ =	shalt  }
0x3e: {  	_ =	shalt  }
0x3f: {  	_ =	shalt  }
0x40: {  	_ =	shalt  }
0x41: {  	_ =	shalt  }
0x42: {  	_ =	shalt  }
0x43: {  	_ =	shalt  }
0x44: {  	_ =	shalt  }
0x45: {  	_ =	shalt  }
0x46: {  	_ =	shalt  }
0x47: {  	_ =	shalt  }
0x48: {  	_ =	shalt  }
0x49: {  	_ =	shalt  }
0x4a: {  	_ =	shalt  }
0x4b: {  	_ =	shalt  }
0x4c: {  	_ =	shalt  }
0x4d: {  	_ =	shalt  }
0x4e: {  	_ =	shalt  }
0x4f: {  	_ =	shalt  }
0x50: {  	_ =	shalt  }
0x51: {  	_ =	shalt  }
0x52: {  	_ =	shalt  }
0x53: {  	_ =	shalt  }
0x54: {  	_ =	shalt  }
0x55: {  	_ =	shalt  }
0x56: {  	_ =	shalt  }
0x57: {  	_ =	shalt  }
0x58: {  	_ =	shalt  }
0x59: {  	_ =	shalt  }
0x5a: {  	_ =	shalt  }
0x5b: {  	_ =	shalt  }
0x5c: {  	_ =	shalt  }
0x5d: {  	_ =	shalt  }
0x5e: {  	_ =	shalt  }
0x5f: {  	_ =	shalt  }
0x60: {  	_ =	shalt  }
0x61: {  	_ =	shalt  }
0x62: {  	_ =	shalt  }
0x63: {  	_ =	shalt  }
0x64: {  	_ =	shalt  }
0x65: {  	_ =	shalt  }
0x66: {  	_ =	shalt  }
0x67: {  	_ =	shalt  }
0x68: {  	_ =	shalt  }
0x69: {  	_ =	shalt  }
0x6a: {  	_ =	shalt  }
0x6b: {  	_ =	shalt  }
0x6c: {  	_ =	shalt  }
0x6d: {  	_ =	shalt  }
0x6e: {  	_ =	shalt  }
0x6f: {  	_ =	shalt  }
0x70: {  	_ =	shalt  }
0x71: {  	_ =	shalt  }
0x72: {  	_ =	shalt  }
0x73: {  	_ =	shalt  }
0x74: {  	_ =	shalt  }
0x75: {  	_ =	shalt  }
0x76: {  	_ =	shalt  }
0x77: {  	_ =	shalt  }
0x78: {  	_ =	shalt  }
0x79: {  	_ =	shalt  }
0x7a: {  	_ =	shalt  }
0x7b: {  	_ =	shalt  }
0x7c: {  	_ =	shalt  }
0x7d: {  	_ =	shalt  }
0x7e: {  	_ =	shalt  }
0x7f: {  	_ =	shalt  }
0x80: {  	_ =	shalt  }
0x81: {  	_ =	shalt  }
0x82: {  	_ =	shalt  }
0x83: {  	_ =	shalt  }
0x84: {  	_ =	shalt  }
0x85: {  	_ =	shalt  }
0x86: {  	_ =	shalt  }
0x87: {  	_ =	shalt  }
.Lfunc_end0:
.L_simem_size_0:
called_computation_lowered:
.L_overlay_start_0:
0x88: {  	s2 =	sld [smem:$0x3FD9]  }
0x89: {  	s3 =	sld [smem:$0x3FFE];
	_ =	sdelay $0x1  }
0x8a: {  	s1 =	srdreg.scid  }
0x8b: {  	s0 =	sand.u32 $0x1, s1  }
0x8c: {  	s17 =	sshll.u32 s0, $0xA;
	s2 =	sadd.s32 s3, s2  }
0x8d: {  	s2 =	sadd.s32 s2, s17  }
0x8e: {  	[smem:$0x3FC4] =	sst s2  }
0x8f: {  	_ = 	snop  }
0x90: {  	s2 =	sld [smem:$0x3FD0];
	(tm) =	ssettm $0x1  }
0x91: {  	s18 =	sld [smem:$0x3FFB];
	_ =	sdelay $0x3  }
0x92: {  	_ =	strace s18  }
0x93: {  	s3 =	sld [smem:$0x3FFC];
	_ =	sdelay $0x3  }
0x94: {  	_ =	strace s3  }
0x95: {  	s3 =	sld [smem:$0x3FFD];
	_ =	sdelay $0x3  }
0x96: {  	_ =	strace s3  }
0x97: {  	_ =	strace $0x8FFFFFFF  }
0x98: {  	s19 =	sld [smem:$0x3FDB];
	_ =	sdelay $0x1  }
0x99: {  	s4 =	simm.s32 $_scs_section_size  }
0x9a: {  	s5 =	simm.s32 $_size__tile_overlayer_lowered;
	s6 =	simm.s32 $_tile_overlayer_lowered  }
0x9b: {  	s22 =	simm.s32 $0x1BFF;
	s21 =	sshll.u32 s6, $0x1;
	s3 =	sadd.s32 s4, s19  }
0x9c: {  	s7 =	simm.s32 $0x0;
	s20 =	sshll.u32 s5, $0x1;
	s5 =	sadd.s32 s21, s3  }
0x9d: {  	[timem:s7], [sflag:s22] =	dma.local [hbm:s5], s20  }
0x9e: {  	_ =	swait.ge [sflag:s22], s20  }
0x9f: {  	s4 =	ssub.s32 $0x0, s20;
	[sflag:s22] =	ssyncset.done $0x0  }
0xa0: {  	[sflag:s22] =	ssyncadd.s32 s4;
	_ =	sdelay $0x1  }
0xa1: {  	s23 =	simm.s32 $0x1B8B  }
0xa2: {  	_ =	swait.ge [sflag:s23], $0x1  }
0xa3: {  	[sflag:s23] =	ssyncset.done $0x0  }
0xa4: {  	s25 =	simm.s32 $0x1B8E;
	s24 =	sld [smem:$0x3FFE];
	[sflag:s23] =	ssyncadd.s32 $0xFFFFFFFF  }
0xa5: {  	s26 =	simm.s32 $execute0_lowered;
	[smem:$0x3FD2] =	sst s25  }
0xa6: {  	s5 =	sshll.u32 s26, $0x1;
	_ =	strace $0x80000046;
	[dreg:$0x1] =	wrdreg $0xFFFFFFFF  }
0xa7: {  	s28 =	simm.s32 $_size_execute0_lowered;
	s3 =	sadd.s32 s3, s5;
	[dreg:$0x0] =	wrdreg $0x0  }
0xa8: {  	s5 =	sshll.u32 s28, $0x1;
	[dreg:$0x2] =	wrdreg s3  }
0xa9: {  	[dreg:$0x3] =	wrdreg s5  }
0xaa: {  	[dreg:$0x4] =	wrdreg $0xC0  }
0xab: {  	_ =	task [dreg:s7], $0x5FFFF  }
0xac: {  	[dreg:$0x1] =	wrdreg $0xFFFFFFFF  }
0xad: {  	[dreg:$0x0] =	wrdreg $0x60  }
0xae: {  	[dreg:$0x2] =	wrdreg s24  }
0xaf: {  	[dreg:$0x3] =	wrdreg s2  }
0xb0: {  	[dreg:$0x4] =	wrdreg $0x9  }
0xb1: {  	_ =	task.clear_ibuf [dreg:s7], $0x5FFFF;
	_ =	strace $0x90000046  }
0xb2: {  	s29 =	simm.s32 $0x9;
	_ =	strace $0x80000048  }
0xb3: {  	_ =	swait.ge [sflag:s29], $0x1  }
0xb4: {  	[sflag:s29] =	ssyncadd.s32 $0xFFFFFFFF  }
0xb5: {  	_ =	strace $0x90000048  }
0xb6: {  	_ =	sfence  }
0xb7: {  	s30 =	sld [smem:$0x0];
	_ =	sdelay $0x2  }
0xb8: {  	s31 =	sshll.u32 s1, $0xD;
	s1 =	sshrl.u32 s1, $0x2  }
0xb9: {  	s3 =	sand.u32 $0x4000, s31;
	s1 =	sadd.s32 s1, s30  }
0xba: {  	s0 =	sor.u32 s3, s0;
	s1 =	sshll.u32 s1, $0x11  }
0xbb: {  	s0 =	sor.u32 s1, s0  }
0xbc: {  	s0 =	sadd.s32 $0x8F2B, s0  }
0xbd: {  	[sflag:s0] =	ssyncadd.remote.s32 $0x1  }
0xbe: {  	_ =	sfence.sel $0xFFFF  }
0xbf: {  	[dreg:$0x0] =	wrdreg $0xFFFFFFFF;
	(pc) =	sbr.abs _section_cstart, $3  }
0xc0: {  	[dreg:$0x1] =	wrdreg $0xFFFFFFFF  }
0xc1: {  	_ =	task.clear_ibuf [dreg:s7], $0x2FFFF;
	_ =	strace $0x9FFFFFFF  }
0xc2: {  	(tm) =	ssettm $0x7FFFFFFF  }
0xc3: {  	_ =	shalt  }
tec
execute0_lowered:
.L_overlay_start_1:
0x0: {  	(tag) =	ssettag $0x1  }
0x1: {  	s1 =	rddreg [dreg:$0x0];
	s3 =	srdreg.scid  }
0x2: {  	s0 =	stileid.u32;
	s2 =	rddreg [dreg:$0x1];
	s13 =	simm.s32 $0x2780  }
0x3: {  	s14 =	simm.s32 $0x50;
	s15 =	simm.s32 $0x4F00;
	s16 =	simm.s32 $0x9F00  }
0x4: {  	s17 =	simm.s32 $0xEF00;
	s18 =	simm.s32 $0x7700;
	s19 =	simm.s32 $0xC700  }
0x5: {  	s20 =	simm.s32 $0x11700;
	s21 =	simm.s32 $0x1;
	s22 =	simm.s32 $0x13F00  }
0x6: {  	s23 =	simm.s32 $0x2;
	s7 =	sand.u32 $0x1, s3;
	s4 =	sshll.u32 s0, $0x1  }
0x7: {  	s24 =	simm.s32 $0x16700;
	s25 =	simm.s32 $0x0;
	s8 =	sor.u32 s7, s4  }
0x8: {  	s3 =	simm.s32 $0x0;
	s5 =	sadd.s32 $0x14200, s1;
	s4 =	smul.u32 $0x2710, s8  }
0x9: {  	[smem:$0x7FF] =	sst s3;
	s30 =	ssub.s32 $0x2, s7;
	s9 =	smul.u32 $0x138800, s8  }
0xa: {  	_ =	strace $0x80000047;
	s7 =	sshrl.u32 s30, $0x1;
	s6 =	sshrl.u32 s4, $0x3  }
0xb: {  	s11 =	smul.u32 $0x27100, s8;
	s31 =	sshrl.u32 s9, $0x3;
	s10 =	sadd.s32 s6, s1  }
0xc: {  	s6 =	sadd.s32 $0x62400, s1;
	s1 =	ssub.s32 s30, s7;
	s12 =	sadd.s32 s2, s31  }
0xd: {  	s7 =	sadd.s32 $0xA400, s10;
	s8 =	sadd.s32 $0x600, s10;
	s9 =	sadd.s32 s6, s11  }
0xe: {  	s10 =	sadd.s32 $0x26C00, s12;
	s11 =	smax.u32 s1, $0x1;
	s12 =	simm.s32 $0x3  }
.LBB2_1:
0xf: {  	[tilespmem:s3], [sflag:$0x3] =	stream.linear.gather [hbm4b:s7+s3], $0x2710, $0x38;
	[tilespmem:$0x18F00] =	vst v63  }
0x10: {  	_ =	swait.ge [sflag:s12], $0x2710  }
0x11: {  	[sflag:s12] =	ssyncset.done $0x0  }
0x12: {  	[sflag:s12] =	ssyncadd.s32 $0xFFFFD8F0  }
0x13: {  	[tilespmem:s13], [sflag:$0x3] =	stream.linear.gather [hbm4b:s8+s3], $0x2710, $0x38;
	[tilespmem:$0x18F00] =	vst v63  }
0x14: {  	_ =	swait.ge [sflag:s12], $0x2710  }
0x15: {  	[sflag:s12] =	ssyncset.done $0x0  }
0x16: {  	[sflag:s12] =	ssyncadd.s32 $0xFFFFD8F0  }
0x17: {  	[tilespmem:s15], [sflag:$0x1] =	stream.indirect.gather [hbm4b:s5+s14], $0x80, s3, s14, $0xb8;
	[tilespmem:$0x18F00] =	vst v63  }
0x18: {  	_ = 	snop  }
0x19: {  	[tilespmem:s16], [sflag:$0x1] =	stream.indirect.gather [hbm4b:s5+s14], $0x80, s13, s14, $0xb8;
	[tilespmem:$0x18F00] =	vst v63  }
0x1a: {  	s26 =	simm.s32 $0x0  }
0x1b: {  	[tilespmem:s17], [sflag:$0x1] =	stream.linear.gather [hbm4b:s9+s3], $0x2800, $0x38;
	[tilespmem:$0x18F00] =	vst v63  }
.LBB2_2:
0x1c: {  	s29 =	smul.u32 $0xA0, s26;
	_ =	sdelay $0x1  }
0x1d: {  	s1 =	sadd.s32 $0x50, s29  }
0x1e: {  	[tilespmem:s18], [sflag:$0x2] =	stream.indirect.gather [hbm4b:s5+s14], $0x80, s1, s14, $0xb8;
	[tilespmem:$0x18F00] =	vst v63  }
0x1f: {  	s28 =	sadd.s32 $0x27D0, s29;
	s1 =	sadd.s32 s4, s1  }
0x20: {  	[tilespmem:s19], [sflag:$0x2] =	stream.indirect.gather [hbm4b:s5+s14], $0x80, s28, s14, $0xb8;
	[tilespmem:$0x18F00] =	vst v63  }
0x21: {  	s28 =	sshll.u32 s1, $0x4  }
0x22: {  	s30 =	simm.s32 $0x0;
	s1 =	sadd.s32 s6, s28  }
0x23: {  	[tilespmem:s20], [sflag:$0x2] =	stream.linear.gather [hbm4b:s1+s30], $0x2800, $0x38;
	[tilespmem:$0x18F00] =	vst v63  }
0x24: {  	_ =	swait.ge [sflag:s21], $0x2800  }
0x25: {  	[sflag:s21] =	ssyncset.done $0x0  }
0x26: {  	[sflag:s21] =	ssyncadd.s32 $0xFFFFD800  }
0x27: {  	_ =	swait.ge [sflag:s21], $0x2800  }
0x28: {  	[sflag:s21] =	ssyncset.done $0x0  }
0x29: {  	[sflag:s21] =	ssyncadd.s32 $0xFFFFD800  }
0x2a: {  	_ =	swait.ge [sflag:s21], $0x2800  }
0x2b: {  	[sflag:s21] =	ssyncset.done $0x0  }
0x2c: {  	s30 =	simm.s32 $0x0;
	[sflag:s21] =	ssyncadd.s32 $0xFFFFD800  }
0x2d: {  	v0 =	vld [tilespmem:s30+$0x4F70]  }
0x2e: {  	v1 =	vld [tilespmem:s30+$0x9F70]  }
0x2f: {  	v2 =	vld [tilespmem:s30+$0x4F00]  }
0x30: {  	v3 =	vld [tilespmem:s30+$0xEF70]  }
0x31: {  	v4 =	vld [tilespmem:s30+$0x9F00]  }
0x32: {  	v5 =	vld [tilespmem:s30+$0x4F10]  }
0x33: {  	v6 =	vld [tilespmem:s30+$0x9F10]  }
0x34: {  	v7 =	vld [tilespmem:s30+$0x9F20]  }
0x35: {  	v9 =	vld [tilespmem:s30+$0x9F30]  }
0x36: {  	v10 =	vld [tilespmem:s30+$0x4F40]  }
0x37: {  	v11 =	vld [tilespmem:s30+$0x9F40]  }
0x38: {  	v12 =	vld [tilespmem:s30+$0x4F50]  }
0x39: {  	v13 =	vld [tilespmem:s30+$0x9F50]  }
0x3a: {  	v14 =	vld [tilespmem:s30+$0x4F60]  }
0x3b: {  	v15 =	vld [tilespmem:s30+$0x9F60]  }
0x3c: {  	v16 =	vld [tilespmem:s30+$0xEF00]  }
0x3d: {  	v0 =	vadd.f32 v1, v0;
	v1 =	vld [tilespmem:s30+$0x4F20]  }
0x3e: {  	v17 =	vld [tilespmem:s30+$0xEF10]  }
0x3f: {  	v0 =	vadd.f32 v3, v0;
	v3 =	vld [tilespmem:s30+$0x4F30]  }
0x40: {  	v18 =	vld [tilespmem:s30+$0xEF20]  }
0x41: {  	v8 =	vld [tilespmem:s30+$0xEF30];
	v2 =	vadd.f32 v4, v2;
	v19 =	vadd.f32 v6, v5  }
0x42: {  	v5 =	vld [tilespmem:s30+$0xEF40];
	v4 =	vadd.f32 v13, v12;
	v20 =	vadd.f32 v7, v1  }
0x43: {  	v6 =	vld [tilespmem:s30+$0xEF50];
	v1 =	vadd.f32 v11, v10;
	v10 =	vadd.f32 v16, v2  }
0x44: {  	s31 =	simm.s32 $0x80;
	[tilespmem:s30+$0x13F70] =	vst v0;
	v7 =	vld [tilespmem:s30+$0xEF60];
	v0 =	vadd.f32 v9, v3;
	v9 =	vadd.f32 v17, v19  }
0x45: {  	s1 =	simm.s32 $0x400;
	v2 =	vadd.f32 v15, v14;
	v3 =	vld [tilespmem:s31+$0x4F70];
	[tilespmem:s30+$0x13F00] =	vst v10;
	v10 =	vadd.f32 v18, v20  }
.LBB2_3:
0x46: {  	p0 =	sne.s32 s1, $0x9E00;
	v11 =	vld [tilespmem:s31+$0x9F70];
	[tilespmem:s30+$0x13F10] =	vst v9;
	v0 =	vadd.f32 v8, v0  }
0x47: {  	v8 =	vld [tilespmem:s31+$0x4F00];
	[tilespmem:s30+$0x13F20] =	vst v10;
	v1 =	vadd.f32 v5, v1  }
0x48: {  	v5 =	vld [tilespmem:s31+$0xEF70];
	[tilespmem:s30+$0x13F30] =	vst v0;
	v0 =	vadd.f32 v6, v4  }
0x49: {  	v4 =	vld [tilespmem:s31+$0x9F00];
	[tilespmem:s30+$0x13F40] =	vst v1;
	v1 =	vadd.f32 v7, v2  }
0x4a: {  	v2 =	vld [tilespmem:s31+$0x4F10];
	[tilespmem:s30+$0x13F50] =	vst v0  }
0x4b: {  	v0 =	vld [tilespmem:s31+$0x9F10];
	v3 =	vadd.f32 v11, v3;
	[tilespmem:s30+$0x13F60] =	vst v1;
	s30 =	smov.u32 s31  }
0x4c: {  	v1 =	vld [tilespmem:s30+$0x4F20]  }
0x4d: {  	v6 =	vld [tilespmem:s30+$0x9F20];
	v3 =	vadd.f32 v5, v3  }
0x4e: {  	v7 =	vadd.f32 v4, v8;
	v4 =	vld [tilespmem:s30+$0x4F30]  }
0x4f: {  	v5 =	vld [tilespmem:s30+$0x9F30];
	[tilespmem:s30+$0x13F70] =	vst v3  }
0x50: {  	v3 =	vadd.f32 v0, v2;
	v2 =	vld [tilespmem:s30+$0x4F40]  }
0x51: {  	v8 =	vld [tilespmem:s30+$0x9F40]  }
0x52: {  	v10 =	vadd.f32 v6, v1;
	v6 =	vld [tilespmem:s30+$0x4F50]  }
0x53: {  	v9 =	vld [tilespmem:s30+$0x9F50]  }
0x54: {  	v0 =	vadd.f32 v5, v4;
	v11 =	vld [tilespmem:s30+$0x4F60]  }
0x55: {  	v12 =	vld [tilespmem:s30+$0x9F60]  }
0x56: {  	v13 =	vld [tilespmem:s30+$0xEF00];
	v1 =	vadd.f32 v8, v2  }
0x57: {  	v14 =	vld [tilespmem:s30+$0xEF10]  }
0x58: {  	v15 =	vld [tilespmem:s30+$0xEF20];
	v4 =	vadd.f32 v9, v6  }
.Ltmp0:
0x59: {  	v8 =	vld [tilespmem:s30+$0xEF30];
	(pc) =	sbr.rel @p0 .LBB2_3-.Ltmp0, $4  }
0x5a: {  	v5 =	vld [tilespmem:s30+$0xEF40];
	v2 =	vadd.f32 v12, v11  }
0x5b: {  	v11 =	vadd.f32 v13, v7;
	v6 =	vld [tilespmem:s30+$0xEF50]  }
0x5c: {  	s31 =	sshra.s32 s1, $0x2;
	v9 =	vadd.f32 v14, v3;
	v7 =	vld [tilespmem:s30+$0xEF60]  }
0x5d: {  	s1 =	sadd.s32 $0x200, s1;
	v3 =	vld [tilespmem:s31+$0x4F70];
	[tilespmem:s30+$0x13F00] =	vst v11;
	v10 =	vadd.f32 v15, v10  }
0x5e: {  	v11 =	vld [tilespmem:s31+$0x9F70];
	[tilespmem:s30+$0x13F10] =	vst v9;
	v0 =	vadd.f32 v8, v0  }
0x5f: {  	v9 =	vld [tilespmem:s31+$0x4F00];
	[tilespmem:s30+$0x13F20] =	vst v10;
	v1 =	vadd.f32 v5, v1  }
0x60: {  	v8 =	vld [tilespmem:s31+$0xEF70];
	[tilespmem:s30+$0x13F30] =	vst v0;
	v4 =	vadd.f32 v6, v4  }
0x61: {  	v0 =	vld [tilespmem:s31+$0x9F00];
	[tilespmem:s30+$0x13F40] =	vst v1;
	v2 =	vadd.f32 v7, v2  }
0x62: {  	v1 =	vld [tilespmem:s31+$0x4F10];
	[tilespmem:s30+$0x13F50] =	vst v4  }
0x63: {  	v4 =	vld [tilespmem:s31+$0x9F10];
	[tilespmem:s30+$0x13F60] =	vst v2  }
0x64: {  	v2 =	vadd.f32 v11, v3;
	v3 =	vld [tilespmem:s31+$0x4F20]  }
0x65: {  	v5 =	vld [tilespmem:s31+$0x9F20]  }
0x66: {  	v6 =	vld [tilespmem:s31+$0x4F30]  }
0x67: {  	v7 =	vld [tilespmem:s31+$0x9F30]  }
0x68: {  	v10 =	vld [tilespmem:s31+$0x4F50]  }
0x69: {  	v11 =	vld [tilespmem:s31+$0x9F50]  }
0x6a: {  	v12 =	vld [tilespmem:s31+$0x4F60]  }
0x6b: {  	v13 =	vld [tilespmem:s31+$0x9F60]  }
0x6c: {  	v14 =	vld [tilespmem:s31+$0xEF00]  }
0x6d: {  	v15 =	vld [tilespmem:s31+$0xEF10]  }
0x6e: {  	v16 =	vld [tilespmem:s31+$0xEF20];
	v2 =	vadd.f32 v8, v2  }
0x6f: {  	v8 =	vld [tilespmem:s31+$0x9F40]  }
0x70: {  	[tilespmem:s31+$0x13F70] =	vst v2;
	v2 =	vld [tilespmem:s31+$0x4F40]  }
0x71: {  	v0 =	vadd.f32 v0, v9;
	v9 =	vld [tilespmem:s31+$0xEF30]  }
0x72: {  	v1 =	vadd.f32 v4, v1;
	v4 =	vld [tilespmem:s31+$0xEF40]  }
0x73: {  	v3 =	vadd.f32 v5, v3;
	v0 =	vadd.f32 v14, v0;
	v5 =	vld [tilespmem:s31+$0xEF50]  }
0x74: {  	v6 =	vadd.f32 v7, v6;
	v7 =	vld [tilespmem:s31+$0xEF60];
	v1 =	vadd.f32 v15, v1  }
0x75: {  	[tilespmem:s31+$0x13F00] =	vst v0;
	v0 =	vadd.f32 v16, v3;
	v2 =	vadd.f32 v8, v2  }
0x76: {  	v3 =	vadd.f32 v11, v10;
	[tilespmem:s31+$0x13F10] =	vst v1;
	v1 =	vadd.f32 v9, v6  }
0x77: {  	v6 =	vadd.f32 v13, v12;
	[tilespmem:s31+$0x13F20] =	vst v0;
	v0 =	vadd.f32 v4, v2  }
0x78: {  	[tilespmem:s31+$0x13F30] =	vst v1;
	v1 =	vadd.f32 v5, v3  }
0x79: {  	s1 =	sadd.s32 s4, s29;
	[tilespmem:s31+$0x13F40] =	vst v0;
	v0 =	vadd.f32 v7, v6  }
0x7a: {  	s1 =	sshll.u32 s1, $0x4;
	[tilespmem:s31+$0x13F50] =	vst v1  }
0x7b: {  	s1 =	sadd.s32 s2, s1;
	s30 =	simm.s32 $0x0;
	[tilespmem:s31+$0x13F60] =	vst v0  }
0x7c: {  	[hbm4b:s1+s30] =	stream.linear.scatter [tilespmem:s22], [sflag:$0x3], $0x2800, $0x38;
	[tilespmem:$0x18F00] =	vst v63  }
0x7d: {  	_ =	swait.ge [sflag:s12], $0x2800  }
0x7e: {  	s31 =	sadd.s32 $0xA0, s29;
	[sflag:s12] =	ssyncset.done $0x0  }
0x7f: {  	s1 =	sadd.s32 s4, s31;
	[sflag:s12] =	ssyncadd.s32 $0xFFFFD800  }
0x80: {  	[tilespmem:s15], [sflag:$0x1] =	stream.indirect.gather [hbm4b:s5+s14], $0x80, s31, s14, $0xb8;
	[tilespmem:$0x18F00] =	vst v63  }
0x81: {  	s29 =	sadd.s32 $0x2820, s29;
	s1 =	sshll.u32 s1, $0x4  }
0x82: {  	[tilespmem:s16], [sflag:$0x1] =	stream.indirect.gather [hbm4b:s5+s14], $0x80, s29, s14, $0xb8;
	[tilespmem:$0x18F00] =	vst v63  }
0x83: {  	s1 =	sadd.s32 s6, s1  }
0x84: {  	[tilespmem:s17], [sflag:$0x1] =	stream.linear.gather [hbm4b:s1+s30], $0x2800, $0x38;
	[tilespmem:$0x18F00] =	vst v63  }
0x85: {  	_ =	swait.ge [sflag:s23], $0x2800  }
0x86: {  	[sflag:s23] =	ssyncset.done $0x0  }
0x87: {  	[sflag:s23] =	ssyncadd.s32 $0xFFFFD800  }
0x88: {  	_ =	swait.ge [sflag:s23], $0x2800  }
0x89: {  	[sflag:s23] =	ssyncset.done $0x0  }
0x8a: {  	[sflag:s23] =	ssyncadd.s32 $0xFFFFD800  }
0x8b: {  	_ =	swait.ge [sflag:s23], $0x2800  }
0x8c: {  	[sflag:s23] =	ssyncset.done $0x0  }
0x8d: {  	s29 =	simm.s32 $0x0;
	[sflag:s23] =	ssyncadd.s32 $0xFFFFD800  }
0x8e: {  	v0 =	vld [tilespmem:s29+$0x7770]  }
0x8f: {  	v1 =	vld [tilespmem:s29+$0xC770]  }
0x90: {  	v2 =	vld [tilespmem:s29+$0x7700]  }
0x91: {  	v3 =	vld [tilespmem:s29+$0x11770]  }
0x92: {  	v4 =	vld [tilespmem:s29+$0xC700]  }
0x93: {  	v5 =	vld [tilespmem:s29+$0x7710]  }
0x94: {  	v6 =	vld [tilespmem:s29+$0xC710]  }
0x95: {  	v7 =	vld [tilespmem:s29+$0xC720]  }
0x96: {  	v9 =	vld [tilespmem:s29+$0xC730]  }
0x97: {  	v10 =	vld [tilespmem:s29+$0x7740]  }
0x98: {  	v11 =	vld [tilespmem:s29+$0xC740]  }
0x99: {  	v59 =	vld [tilespmem:s29+$0x7750]  }
0x9a: {  	v60 =	vld [tilespmem:s29+$0xC750]  }
0x9b: {  	v61 =	vld [tilespmem:s29+$0x7760]  }
0x9c: {  	v62 =	vld [tilespmem:s29+$0xC760]  }
0x9d: {  	v63 =	vld [tilespmem:s29+$0x11700]  }
0x9e: {  	v0 =	vadd.f32 v1, v0;
	v1 =	vld [tilespmem:s29+$0x7720]  }
0x9f: {  	v17 =	vld [tilespmem:s29+$0x11710]  }
0xa0: {  	v0 =	vadd.f32 v3, v0;
	v3 =	vld [tilespmem:s29+$0x7730]  }
0xa1: {  	v18 =	vld [tilespmem:s29+$0x11720]  }
0xa2: {  	v8 =	vld [tilespmem:s29+$0x11730];
	v2 =	vadd.f32 v4, v2;
	v19 =	vadd.f32 v6, v5  }
0xa3: {  	v5 =	vld [tilespmem:s29+$0x11740];
	v4 =	vadd.f32 v60, v59;
	v20 =	vadd.f32 v7, v1  }
0xa4: {  	v6 =	vld [tilespmem:s29+$0x11750];
	v1 =	vadd.f32 v11, v10;
	v10 =	vadd.f32 v63, v2  }
0xa5: {  	s30 =	simm.s32 $0x80;
	[tilespmem:s29+$0x16770] =	vst v0;
	v7 =	vld [tilespmem:s29+$0x11760];
	v0 =	vadd.f32 v9, v3;
	v9 =	vadd.f32 v17, v19  }
0xa6: {  	s1 =	simm.s32 $0x400;
	v2 =	vadd.f32 v62, v61;
	v3 =	vld [tilespmem:s30+$0x7770];
	[tilespmem:s29+$0x16700] =	vst v10;
	v10 =	vadd.f32 v18, v20  }
.LBB2_5:
0xa7: {  	p0 =	sne.s32 s1, $0x9E00;
	v11 =	vld [tilespmem:s30+$0xC770];
	[tilespmem:s29+$0x16710] =	vst v9;
	v0 =	vadd.f32 v8, v0  }
0xa8: {  	v8 =	vld [tilespmem:s30+$0x7700];
	[tilespmem:s29+$0x16720] =	vst v10;
	v1 =	vadd.f32 v5, v1  }
0xa9: {  	v5 =	vld [tilespmem:s30+$0x11770];
	[tilespmem:s29+$0x16730] =	vst v0;
	v0 =	vadd.f32 v6, v4  }
0xaa: {  	v4 =	vld [tilespmem:s30+$0xC700];
	[tilespmem:s29+$0x16740] =	vst v1;
	v1 =	vadd.f32 v7, v2  }
0xab: {  	v2 =	vld [tilespmem:s30+$0x7710];
	[tilespmem:s29+$0x16750] =	vst v0  }
0xac: {  	v0 =	vld [tilespmem:s30+$0xC710];
	v3 =	vadd.f32 v11, v3;
	[tilespmem:s29+$0x16760] =	vst v1;
	s29 =	smov.u32 s30  }
0xad: {  	v1 =	vld [tilespmem:s29+$0x7720]  }
0xae: {  	v6 =	vld [tilespmem:s29+$0xC720];
	v3 =	vadd.f32 v5, v3  }
0xaf: {  	v7 =	vadd.f32 v4, v8;
	v4 =	vld [tilespmem:s29+$0x7730]  }
0xb0: {  	v5 =	vld [tilespmem:s29+$0xC730];
	[tilespmem:s29+$0x16770] =	vst v3  }
0xb1: {  	v3 =	vadd.f32 v0, v2;
	v2 =	vld [tilespmem:s29+$0x7740]  }
0xb2: {  	v8 =	vld [tilespmem:s29+$0xC740]  }
0xb3: {  	v10 =	vadd.f32 v6, v1;
	v6 =	vld [tilespmem:s29+$0x7750]  }
0xb4: {  	v9 =	vld [tilespmem:s29+$0xC750]  }
0xb5: {  	v0 =	vadd.f32 v5, v4;
	v11 =	vld [tilespmem:s29+$0x7760]  }
0xb6: {  	v12 =	vld [tilespmem:s29+$0xC760]  }
0xb7: {  	v13 =	vld [tilespmem:s29+$0x11700];
	v1 =	vadd.f32 v8, v2  }
0xb8: {  	v14 =	vld [tilespmem:s29+$0x11710]  }
0xb9: {  	v15 =	vld [tilespmem:s29+$0x11720];
	v4 =	vadd.f32 v9, v6  }
.Ltmp1:
0xba: {  	v8 =	vld [tilespmem:s29+$0x11730];
	(pc) =	sbr.rel @p0 .LBB2_5-.Ltmp1, $4  }
0xbb: {  	v5 =	vld [tilespmem:s29+$0x11740];
	v2 =	vadd.f32 v12, v11  }
0xbc: {  	v11 =	vadd.f32 v13, v7;
	v6 =	vld [tilespmem:s29+$0x11750]  }
0xbd: {  	s30 =	sshra.s32 s1, $0x2;
	v9 =	vadd.f32 v14, v3;
	v7 =	vld [tilespmem:s29+$0x11760]  }
0xbe: {  	s1 =	sadd.s32 $0x200, s1;
	v3 =	vld [tilespmem:s30+$0x7770];
	[tilespmem:s29+$0x16700] =	vst v11;
	v10 =	vadd.f32 v15, v10  }
0xbf: {  	v11 =	vld [tilespmem:s30+$0xC770];
	[tilespmem:s29+$0x16710] =	vst v9;
	v0 =	vadd.f32 v8, v0  }
0xc0: {  	v9 =	vld [tilespmem:s30+$0x7700];
	[tilespmem:s29+$0x16720] =	vst v10;
	v1 =	vadd.f32 v5, v1  }
0xc1: {  	v44 =	vld [tilespmem:s30+$0x11770];
	[tilespmem:s29+$0x16730] =	vst v0;
	v4 =	vadd.f32 v6, v4  }
0xc2: {  	v0 =	vld [tilespmem:s30+$0xC700];
	[tilespmem:s29+$0x16740] =	vst v1;
	v2 =	vadd.f32 v7, v2  }
0xc3: {  	v1 =	vld [tilespmem:s30+$0x7710];
	[tilespmem:s29+$0x16750] =	vst v4  }
0xc4: {  	v4 =	vld [tilespmem:s30+$0xC710];
	[tilespmem:s29+$0x16760] =	vst v2  }
0xc5: {  	v46 =	vld [tilespmem:s30+$0x7720]  }
0xc6: {  	v47 =	vld [tilespmem:s30+$0xC720]  }
0xc7: {  	v48 =	vld [tilespmem:s30+$0x7730]  }
0xc8: {  	v49 =	vld [tilespmem:s30+$0xC730]  }
0xc9: {  	v50 =	vld [tilespmem:s30+$0x7740]  }
0xca: {  	v51 =	vld [tilespmem:s30+$0xC740]  }
0xcb: {  	v10 =	vld [tilespmem:s30+$0x7750]  }
0xcc: {  	v52 =	vld [tilespmem:s30+$0xC750]  }
0xcd: {  	v12 =	vld [tilespmem:s30+$0x7760]  }
0xce: {  	v13 =	vld [tilespmem:s30+$0xC760]  }
0xcf: {  	v14 =	vld [tilespmem:s30+$0x11700]  }
0xd0: {  	v15 =	vld [tilespmem:s30+$0x11710]  }
0xd1: {  	v45 =	vadd.f32 v11, v3;
	v16 =	vld [tilespmem:s30+$0x11720]  }
0xd2: {  	v53 =	vld [tilespmem:s30+$0x11730];
	v0 =	vadd.f32 v0, v9  }
0xd3: {  	v54 =	vld [tilespmem:s30+$0x11740];
	v2 =	vadd.f32 v44, v45;
	v1 =	vadd.f32 v4, v1  }
0xd4: {  	v55 =	vld [tilespmem:s30+$0x11750];
	v3 =	vadd.f32 v47, v46;
	v0 =	vadd.f32 v14, v0  }
0xd5: {  	v56 =	vld [tilespmem:s30+$0x11760];
	[tilespmem:s30+$0x16770] =	vst v2;
	v6 =	vadd.f32 v49, v48;
	v1 =	vadd.f32 v15, v1  }
0xd6: {  	v2 =	vadd.f32 v51, v50;
	[tilespmem:s30+$0x16700] =	vst v0;
	v57 =	vadd.f32 v16, v3  }
0xd7: {  	v58 =	vadd.f32 v52, v10;
	v59 =	vadd.f32 v53, v6;
	[tilespmem:s30+$0x16710] =	vst v1  }
0xd8: {  	v60 =	vadd.f32 v13, v12;
	v61 =	vadd.f32 v54, v2;
	[tilespmem:s30+$0x16720] =	vst v57  }
0xd9: {  	v62 =	vadd.f32 v55, v58;
	[tilespmem:s30+$0x16730] =	vst v59  }
0xda: {  	s26 =	sadd.s32 $0x1, s26;
	v63 =	vadd.f32 v56, v60;
	[tilespmem:s30+$0x16740] =	vst v61  }
0xdb: {  	p0 =	sne.s32 s26, $0x3E;
	[tilespmem:s30+$0x16750] =	vst v62  }
.Ltmp2:
0xdc: {  	s1 =	sadd.s32 s2, s28;
	[tilespmem:s30+$0x16760] =	vst v63;
	(pc) =	sbr.rel @p0 .LBB2_2-.Ltmp2, $4  }
0xdd: {  	[hbm4b:s1+s3] =	stream.linear.scatter [tilespmem:s24], [sflag:$0x3], $0x2800, $0x38;
	[tilespmem:$0x18F00] =	vst v63  }
0xde: {  	_ =	swait.ge [sflag:s12], $0x2800  }
0xdf: {  	[sflag:s12] =	ssyncset.done $0x0  }
0xe0: {  	[sflag:s12] =	ssyncadd.s32 $0xFFFFD800  }
0xe1: {  	_ =	swait.ge [sflag:s21], $0x2800  }
0xe2: {  	[sflag:s21] =	ssyncset.done $0x0  }
0xe3: {  	[sflag:s21] =	ssyncadd.s32 $0xFFFFD800  }
0xe4: {  	_ =	swait.ge [sflag:s21], $0x2800  }
0xe5: {  	[sflag:s21] =	ssyncset.done $0x0  }
0xe6: {  	[sflag:s21] =	ssyncadd.s32 $0xFFFFD800  }
0xe7: {  	_ =	swait.ge [sflag:s21], $0x2800  }
0xe8: {  	[sflag:s21] =	ssyncset.done $0x0  }
0xe9: {  	s26 =	simm.s32 $0x0;
	[sflag:s21] =	ssyncadd.s32 $0xFFFFD800  }
0xea: {  	v0 =	vld [tilespmem:s26+$0x4F70]  }
0xeb: {  	v1 =	vld [tilespmem:s26+$0x9F70]  }
0xec: {  	v2 =	vld [tilespmem:s26+$0x4F00]  }
0xed: {  	v3 =	vld [tilespmem:s26+$0xEF70]  }
0xee: {  	v4 =	vld [tilespmem:s26+$0x9F00]  }
0xef: {  	v5 =	vld [tilespmem:s26+$0x4F10]  }
0xf0: {  	v6 =	vld [tilespmem:s26+$0x9F10]  }
0xf1: {  	v7 =	vld [tilespmem:s26+$0x9F20]  }
0xf2: {  	v9 =	vld [tilespmem:s26+$0x9F30]  }
0xf3: {  	v10 =	vld [tilespmem:s26+$0x4F40]  }
0xf4: {  	v11 =	vld [tilespmem:s26+$0x9F40]  }
0xf5: {  	v12 =	vld [tilespmem:s26+$0x4F50]  }
0xf6: {  	v13 =	vld [tilespmem:s26+$0x9F50]  }
0xf7: {  	v14 =	vld [tilespmem:s26+$0x4F60]  }
0xf8: {  	v15 =	vld [tilespmem:s26+$0x9F60]  }
0xf9: {  	v16 =	vld [tilespmem:s26+$0xEF00]  }
0xfa: {  	v0 =	vadd.f32 v1, v0;
	v1 =	vld [tilespmem:s26+$0x4F20]  }
0xfb: {  	v17 =	vld [tilespmem:s26+$0xEF10]  }
0xfc: {  	v0 =	vadd.f32 v3, v0;
	v3 =	vld [tilespmem:s26+$0x4F30]  }
0xfd: {  	v18 =	vld [tilespmem:s26+$0xEF20]  }
0xfe: {  	v8 =	vld [tilespmem:s26+$0xEF30];
	v2 =	vadd.f32 v4, v2;
	v19 =	vadd.f32 v6, v5  }
0xff: {  	v5 =	vld [tilespmem:s26+$0xEF40];
	v4 =	vadd.f32 v13, v12;
	v20 =	vadd.f32 v7, v1  }
0x100: {  	v6 =	vld [tilespmem:s26+$0xEF50];
	v1 =	vadd.f32 v11, v10;
	v10 =	vadd.f32 v16, v2  }
0x101: {  	s28 =	simm.s32 $0x80;
	[tilespmem:s26+$0x13F70] =	vst v0;
	v7 =	vld [tilespmem:s26+$0xEF60];
	v0 =	vadd.f32 v9, v3;
	v9 =	vadd.f32 v17, v19  }
0x102: {  	s1 =	simm.s32 $0x400;
	v2 =	vadd.f32 v15, v14;
	v3 =	vld [tilespmem:s28+$0x4F70];
	[tilespmem:s26+$0x13F00] =	vst v10;
	v10 =	vadd.f32 v18, v20  }
.LBB2_8:
0x103: {  	p0 =	sne.s32 s1, $0x9E00;
	v11 =	vld [tilespmem:s28+$0x9F70];
	[tilespmem:s26+$0x13F10] =	vst v9;
	v0 =	vadd.f32 v8, v0  }
0x104: {  	v8 =	vld [tilespmem:s28+$0x4F00];
	[tilespmem:s26+$0x13F20] =	vst v10;
	v1 =	vadd.f32 v5, v1  }
0x105: {  	v5 =	vld [tilespmem:s28+$0xEF70];
	[tilespmem:s26+$0x13F30] =	vst v0;
	v0 =	vadd.f32 v6, v4  }
0x106: {  	v4 =	vld [tilespmem:s28+$0x9F00];
	[tilespmem:s26+$0x13F40] =	vst v1;
	v1 =	vadd.f32 v7, v2  }
0x107: {  	v2 =	vld [tilespmem:s28+$0x4F10];
	[tilespmem:s26+$0x13F50] =	vst v0  }
0x108: {  	v0 =	vld [tilespmem:s28+$0x9F10];
	v3 =	vadd.f32 v11, v3;
	[tilespmem:s26+$0x13F60] =	vst v1;
	s26 =	smov.u32 s28  }
0x109: {  	v1 =	vld [tilespmem:s26+$0x4F20]  }
0x10a: {  	v6 =	vld [tilespmem:s26+$0x9F20];
	v3 =	vadd.f32 v5, v3  }
0x10b: {  	v7 =	vadd.f32 v4, v8;
	v4 =	vld [tilespmem:s26+$0x4F30]  }
0x10c: {  	v5 =	vld [tilespmem:s26+$0x9F30];
	[tilespmem:s26+$0x13F70] =	vst v3  }
0x10d: {  	v3 =	vadd.f32 v0, v2;
	v2 =	vld [tilespmem:s26+$0x4F40]  }
0x10e: {  	v8 =	vld [tilespmem:s26+$0x9F40]  }
0x10f: {  	v10 =	vadd.f32 v6, v1;
	v6 =	vld [tilespmem:s26+$0x4F50]  }
0x110: {  	v9 =	vld [tilespmem:s26+$0x9F50]  }
0x111: {  	v0 =	vadd.f32 v5, v4;
	v11 =	vld [tilespmem:s26+$0x4F60]  }
0x112: {  	v12 =	vld [tilespmem:s26+$0x9F60]  }
0x113: {  	v13 =	vld [tilespmem:s26+$0xEF00];
	v1 =	vadd.f32 v8, v2  }
0x114: {  	v14 =	vld [tilespmem:s26+$0xEF10]  }
0x115: {  	v15 =	vld [tilespmem:s26+$0xEF20];
	v4 =	vadd.f32 v9, v6  }
.Ltmp3:
0x116: {  	v8 =	vld [tilespmem:s26+$0xEF30];
	(pc) =	sbr.rel @p0 .LBB2_8-.Ltmp3, $4  }
0x117: {  	v5 =	vld [tilespmem:s26+$0xEF40];
	v2 =	vadd.f32 v12, v11  }
0x118: {  	v11 =	vadd.f32 v13, v7;
	v6 =	vld [tilespmem:s26+$0xEF50]  }
0x119: {  	s28 =	sshra.s32 s1, $0x2;
	v9 =	vadd.f32 v14, v3;
	v7 =	vld [tilespmem:s26+$0xEF60]  }
0x11a: {  	s1 =	sadd.s32 $0x200, s1;
	v3 =	vld [tilespmem:s28+$0x4F70];
	[tilespmem:s26+$0x13F00] =	vst v11;
	v10 =	vadd.f32 v15, v10  }
0x11b: {  	v11 =	vld [tilespmem:s28+$0x9F70];
	[tilespmem:s26+$0x13F10] =	vst v9;
	v0 =	vadd.f32 v8, v0  }
0x11c: {  	v9 =	vld [tilespmem:s28+$0x4F00];
	[tilespmem:s26+$0x13F20] =	vst v10;
	v1 =	vadd.f32 v5, v1  }
0x11d: {  	v44 =	vld [tilespmem:s28+$0xEF70];
	[tilespmem:s26+$0x13F30] =	vst v0;
	v4 =	vadd.f32 v6, v4  }
0x11e: {  	v0 =	vld [tilespmem:s28+$0x9F00];
	[tilespmem:s26+$0x13F40] =	vst v1;
	v2 =	vadd.f32 v7, v2  }
0x11f: {  	v1 =	vld [tilespmem:s28+$0x4F10];
	[tilespmem:s26+$0x13F50] =	vst v4  }
0x120: {  	v4 =	vld [tilespmem:s28+$0x9F10];
	[tilespmem:s26+$0x13F60] =	vst v2  }
0x121: {  	v46 =	vld [tilespmem:s28+$0x4F20]  }
0x122: {  	v47 =	vld [tilespmem:s28+$0x9F20]  }
0x123: {  	v48 =	vld [tilespmem:s28+$0x4F30]  }
0x124: {  	v49 =	vld [tilespmem:s28+$0x9F30]  }
0x125: {  	v50 =	vld [tilespmem:s28+$0x4F40]  }
0x126: {  	v51 =	vld [tilespmem:s28+$0x9F40]  }
0x127: {  	v10 =	vld [tilespmem:s28+$0x4F50]  }
0x128: {  	v52 =	vld [tilespmem:s28+$0x9F50]  }
0x129: {  	v12 =	vld [tilespmem:s28+$0x4F60]  }
0x12a: {  	v13 =	vld [tilespmem:s28+$0x9F60]  }
0x12b: {  	v14 =	vld [tilespmem:s28+$0xEF00]  }
0x12c: {  	v15 =	vld [tilespmem:s28+$0xEF10]  }
0x12d: {  	v45 =	vadd.f32 v11, v3;
	v16 =	vld [tilespmem:s28+$0xEF20]  }
0x12e: {  	v53 =	vld [tilespmem:s28+$0xEF30];
	v0 =	vadd.f32 v0, v9  }
0x12f: {  	v54 =	vld [tilespmem:s28+$0xEF40];
	v2 =	vadd.f32 v44, v45;
	v1 =	vadd.f32 v4, v1  }
0x130: {  	v55 =	vld [tilespmem:s28+$0xEF50];
	v3 =	vadd.f32 v47, v46;
	v0 =	vadd.f32 v14, v0  }
0x131: {  	v56 =	vld [tilespmem:s28+$0xEF60];
	[tilespmem:s28+$0x13F70] =	vst v2;
	v6 =	vadd.f32 v49, v48;
	v1 =	vadd.f32 v15, v1  }
0x132: {  	v2 =	vadd.f32 v51, v50;
	[tilespmem:s28+$0x13F00] =	vst v0;
	v57 =	vadd.f32 v16, v3  }
0x133: {  	v58 =	vadd.f32 v52, v10;
	v59 =	vadd.f32 v53, v6;
	[tilespmem:s28+$0x13F10] =	vst v1  }
0x134: {  	v60 =	vadd.f32 v13, v12;
	v61 =	vadd.f32 v54, v2;
	[tilespmem:s28+$0x13F20] =	vst v57  }
0x135: {  	v62 =	vadd.f32 v55, v58;
	[tilespmem:s28+$0x13F30] =	vst v59  }
0x136: {  	s25 =	sadd.s32 $0x1, s25;
	v63 =	vadd.f32 v56, v60;
	[tilespmem:s28+$0x13F40] =	vst v61  }
0x137: {  	p0 =	sne.s32 s25, s11;
	[tilespmem:s28+$0x13F50] =	vst v62  }
.Ltmp4:
0x138: {  	[tilespmem:s28+$0x13F60] =	vst v63;
	(pc) =	sbr.rel @p0 .LBB2_1-.Ltmp4, $4  }
0x139: {  	[hbm4b:s10+s3] =	stream.linear.scatter [tilespmem:s22], [sflag:$0x3], $0x2800, $0x38;
	[tilespmem:$0x18F00] =	vst v63  }
0x13a: {  	_ =	swait.ge [sflag:s12], $0x2800  }
0x13b: {  	[sflag:s12] =	ssyncset.done $0x0  }
0x13c: {  	[sflag:s12] =	ssyncadd.s32 $0xFFFFD800  }
0x13d: {  	_ =	sfence.sel $0x180000  }
0x13e: {  	[bflag:$0x0] =	sbarrier.arrive $0xFFFF  }
0x13f: {  	_ =	strace $0x90000047  }
0x140: {  	[bflag:$0x2] =	sbarrier.arrive $0xFFFF  }
0x141: {  	p0 =	sne.s32 s0, $0x0;
	s0 =	rddreg [dreg:$0x2]  }
0x142: {  	s0 =	sadd.s32 @!p0 $0x100000, s0  }
0x143: {  	[sflag:s0] =	ssyncadd.tile.s32 @!p0 $0x1;
	_ =	shalt  }
.Lfunc_end2:
_tile_overlayer_lowered:
.L_overlay_start_2:
0x144: {  	(tag) =	ssettag $0x2  }
0x145: {  	s0 =	rddreg [dreg:$0x0];
	s2 =	stileid.u32  }
0x146: {  	s1 =	rddreg [dreg:$0x1];
	p0 =	sne.s32 s2, $0x0  }
0x147: {  	s3 =	rddreg [dreg:$0x2];
	[bflag:$0x3] =	sbarrier.arrive $0xFFFF;
	s2 =	simm.s32 @!p0 $0x1C03  }
0x148: {  	[timem:s3], [sflag:s2] =	dma.local @!p0 [hbm:s0], s1  }
0x149: {  	s0 =	simm.s32 @!p0 $0x3  }
0x14a: {  	_ =	swait.ge @!p0 [sflag:s0], s1  }
0x14b: {  	s1 =	ssub.s32 @!p0 $0x0, s1;
	[sflag:s0] =	ssyncset.done @!p0 $0x0  }
0x14c: {  	[sflag:s0] =	ssyncadd.s32 @!p0 s1  }
0x14d: {  	[bflag:$0x3] =	sbarrier.arrive $0xFFFF  }
0x14e: {  	_ =	shalt  }

</sc_bundles>
